<compile_context>
chip_gen: v7x
topology: tpu7x:2x2x1
jax: 0.10.2.dev20260603
libtpu: 0.0.44.dev20260713+nightly
codegen_flags: <defaults>
</compile_context>

<pallas_src>
import functools

import jax
import jax.numpy as jnp
from jax import lax
from jax.experimental import pallas as pl
from jax.experimental.pallas import tpu as pltpu
from jax.experimental.pallas import tpu_sc as plsc

_DIM = 33
_RS = 32
_NLUT = _DIM * _DIM * _RS
_BR = 8
_BC = 256
_LANES = 16


def _sc_lut_apply(lut_packed, x):
    nbatch, _, nrows, ncols = x.shape
    info = plsc.get_sparse_core_info()
    nw = info.num_cores * info.num_subcores
    cblk = ncols // _BC
    blocks_per_plane = (nrows // _BR) * cblk
    bpt = blocks_per_plane // nw
    nchunks = nbatch * bpt

    inv_binsize = jnp.float32((_DIM - 1) / 1.000001)
    mesh = plsc.VectorSubcoreMesh(core_axis_name="c", subcore_axis_name="s")

    @functools.partial(
        pl.kernel,
        mesh=mesh,
        compiler_params=pltpu.CompilerParams(needs_layout_passes=False),
        out_type=jax.ShapeDtypeStruct(x.shape, jnp.float32),
        scratch_types=[
            pltpu.VMEM((_NLUT,), jnp.int32),
            pltpu.VMEM((_NLUT,), jnp.int32),
            pltpu.VMEM((_NLUT,), jnp.int32),
        ] + [pltpu.VMEM((_BR, _BC), jnp.float32)] * 12 + [
            pltpu.SemaphoreType.DMA,
            pltpu.SemaphoreType.DMA,
            pltpu.SemaphoreType.DMA,
            pltpu.SemaphoreType.DMA,
        ],
    )
    def sc_kernel(lut_hbm, x_hbm, out_hbm, lut0, lut1, lut2,
                  r0, g0, b0, r1, g1, b1, p0, q0, u0, p1, q1, u1,
                  sem_i0, sem_i1, sem_o0, sem_o1):
        wid = lax.axis_index("s") * info.num_cores + lax.axis_index("c")
        pltpu.sync_copy(lut_hbm.at[pl.ds(0, _NLUT)], lut0)
        pltpu.sync_copy(lut_hbm.at[pl.ds(_NLUT, _NLUT)], lut1)
        pltpu.sync_copy(lut_hbm.at[pl.ds(2 * _NLUT, _NLUT)], lut2)
        in_sems = (sem_i0, sem_i1)
        out_sems = (sem_o0, sem_o1)
        in_bufs = ((r0, g0, b0), (r1, g1, b1))
        out_bufs = ((p0, q0, u0), (p1, q1, u1))

        def block_pos(ci):
            bi = lax.shift_right_logical(ci, 2)
            j = jnp.bitwise_and(ci, bpt - 1)
            pos = wid * bpt + j
            row0 = pl.multiple_of(
                lax.shift_left(lax.shift_right_logical(pos, 1), 3), _BR)
            col0 = pl.multiple_of(
                lax.shift_left(jnp.bitwise_and(pos, cblk - 1), 8), _BC)
            return bi, row0, col0

        def issue_in(ci, slot):
            bi, row0, col0 = block_pos(jnp.minimum(ci, nchunks - 1))
            for c in range(3):
                pltpu.async_copy(
                    x_hbm.at[bi, c, pl.ds(row0, _BR), pl.ds(col0, _BC)],
                    in_bufs[slot][c], in_sems[slot])

        def wait_in(slot):
            for c in range(3):
                pltpu.make_async_copy(
                    x_hbm.at[0, 0, pl.ds(0, _BR), pl.ds(0, _BC)],
                    in_bufs[slot][c], in_sems[slot]).wait()

        def issue_out(ci, slot):
            bi, row0, col0 = block_pos(ci)
            for c in range(3):
                pltpu.async_copy(
                    out_bufs[slot][c],
                    out_hbm.at[bi, c, pl.ds(row0, _BR), pl.ds(col0, _BC)],
                    out_sems[slot])

        def wait_out(slot):
            for c in range(3):
                pltpu.make_async_copy(
                    out_bufs[slot][c],
                    out_hbm.at[0, 0, pl.ds(0, _BR), pl.ds(0, _BC)],
                    out_sems[slot]).wait()

        def compute(slot):
            rv, gv, bv = in_bufs[slot]
            o0, o1, o2 = out_bufs[slot]

            @plsc.parallel_loop(0, _BR * _BC // _LANES, unroll=2)
            def vbody(i):
                row = lax.shift_right_logical(i, 4)
                s = pl.ds(lax.shift_left(jnp.bitwise_and(i, 15), 4), _LANES)
                rq = rv[row, s] * inv_binsize
                gq = gv[row, s] * inv_binsize
                bq = bv[row, s] * inv_binsize
                rid = rq.astype(jnp.int32)
                gid = gq.astype(jnp.int32)
                bid = bq.astype(jnp.int32)
                rd = rq - rid.astype(jnp.float32)
                gd = gq - gid.astype(jnp.float32)
                bd = bq - bid.astype(jnp.float32)
                base = bid * (_DIM * _RS) + gid * _RS + rid
                wrp = plsc.pack(1.0 - rd, rd, format=plsc.PackFormat.INTERLEAVED)
                u = gd * bd
                w10 = gd - u
                w01 = bd - u
                w00 = (1.0 - gd) - w01
                a0 = jnp.zeros((2 * _LANES,), jnp.bfloat16)
                a1 = jnp.zeros((2 * _LANES,), jnp.bfloat16)
                a2 = jnp.zeros((2 * _LANES,), jnp.bfloat16)
                for dg, db, wgb in ((0, 0, w00), (0, 1, w01),
                                    (1, 0, w10), (1, 1, u)):
                    wp = plsc.pack(wgb, wgb, format=plsc.PackFormat.INTERLEAVED)
                    off = db * (_DIM * _RS) + dg * _RS
                    idx = base + off if off else base
                    a0 = a0 + wp * plsc.bitcast(
                        plsc.load_gather(lut0, [idx]), jnp.bfloat16)
                    a1 = a1 + wp * plsc.bitcast(
                        plsc.load_gather(lut1, [idx]), jnp.bfloat16)
                    a2 = a2 + wp * plsc.bitcast(
                        plsc.load_gather(lut2, [idx]), jnp.bfloat16)
                e0, d0 = plsc.unpack(a0 * wrp, format=plsc.PackFormat.INTERLEAVED)
                e1, d1 = plsc.unpack(a1 * wrp, format=plsc.PackFormat.INTERLEAVED)
                e2, d2 = plsc.unpack(a2 * wrp, format=plsc.PackFormat.INTERLEAVED)
                o0[row, s] = e0 + d0
                o1[row, s] = e1 + d1
                o2[row, s] = e2 + d2

        issue_in(0, 0)

        def pair_body(k, _):
            for half in range(2):
                ci = 2 * k + half
                issue_in(ci + 1, 1 - half)
                wait_in(half)
                pl.when(k >= 1)(lambda: wait_out(half))
                compute(half)
                issue_out(ci, half)
            return 0

        lax.fori_loop(0, nchunks // 2, pair_body, 0)
        wait_out(0)
        wait_out(1)
        wait_in(0)

    return sc_kernel(lut_packed, x)


def kernel(LUT, x):
    lut4 = LUT.reshape(3, _DIM, _DIM, _DIM)
    lo4 = lut4[:, :, :, : _RS]
    hi4 = lut4[:, :, :, 1:]
    lo = lax.bitcast_convert_type(
        lo4.astype(jnp.bfloat16), jnp.uint16).astype(jnp.uint32)
    hi = lax.bitcast_convert_type(
        hi4.astype(jnp.bfloat16), jnp.uint16).astype(jnp.uint32)
    packed = lax.bitcast_convert_type(
        lo | (hi << jnp.uint32(16)), jnp.int32)
    return _sc_lut_apply(packed.reshape(-1), x)

# --- scband reference (transcript-rebuilt; emitter-appended) ---
"""Pipeline reference for scband-generator3-dlut-identity-3358664425830 (READ-ONLY COPY).

The authoritative reference and input builder live on the scoring server;
editing this copy changes nothing except your own understanding.
"""

import jax, jax.numpy as jnp
import numpy as np

DIM = 33

def _identity_lut(dim):
    # LUT layout matches the torch module: buffer[c, i, j, k] with flat index
    # n = i*dim*dim + j*dim + k, and the trilinear kernel addresses it as
    # flat = b_id*dim*dim + g_id*dim + r_id, i.e. LUT[c, b, g, r].
    # Identity mapping: LUT[0,b,g,r]=r/(dim-1), LUT[1,..]=g/(dim-1), LUT[2,..]=b/(dim-1).
    grid = np.linspace(0.0, 1.0, dim, dtype=np.float32)
    b_, g_, r_ = np.meshgrid(grid, grid, grid, indexing='ij')
    buf = np.stack([r_, g_, b_], axis=0).astype(np.float32)
    return jnp.asarray(buf)

def setup_inputs(seed: int = 0) -> dict:
    key = jax.random.key(seed)
    x = jax.random.uniform(key, (16, 3, 512, 512), dtype=jnp.float32)
    LUT = _identity_lut(DIM)
    return {"LUT": LUT, "x": x}

def reference(LUT, x):
    # Faithful port of the CUDA trilinear 3D-LUT forward.
    dim = LUT.shape[-1]
    binsize = 1.000001 / (dim - 1)
    r = x[:, 0]
    g = x[:, 1]
    b = x[:, 2]
    rq = r / binsize
    gq = g / binsize
    bq = b / binsize
    r_id = jnp.floor(rq).astype(jnp.int32)
    g_id = jnp.floor(gq).astype(jnp.int32)
    b_id = jnp.floor(bq).astype(jnp.int32)
    r_d = rq - r_id.astype(x.dtype)  # fmod(r, binsize)/binsize
    g_d = gq - g_id.astype(x.dtype)
    b_d = bq - b_id.astype(x.dtype)
    out_ch = []
    for c in range(3):
        lc = LUT[c]
        acc = jnp.zeros_like(r)
        for dr in (0, 1):
            wr = r_d if dr else (1.0 - r_d)
            for dg in (0, 1):
                wg = g_d if dg else (1.0 - g_d)
                for db in (0, 1):
                    wb = b_d if db else (1.0 - b_d)
                    v = lc[b_id + db, g_id + dg, r_id + dr]
                    acc = acc + wr * wg * wb * v
        out_ch.append(acc)
    return jnp.stack(out_ch, axis=1)

if __name__ == "__main__":
    import jax
    _d = setup_inputs()
    print(jax.jit(kernel)(*tuple(_d.values())))

</pallas_src>

<mosaic_0001>
#map = affine_map<(d0, d1) -> (0)>
#map1 = affine_map<(d0, d1) -> (0, 0, 0, 0)>
module attributes {stable_mosaic.version = 14 : i64} {
  func.func @_rewritten_body(%arg0: i32, %arg1: i32, %arg2: memref<104544xi32, #tpu.memory_space<hbm>>, %arg3: memref<16x3x512x512xf32, #tpu.memory_space<hbm>>, %arg4: memref<1xf32, #tpu.memory_space<hbm>>, %arg5: memref<16x3x512x512xf32, #tpu.memory_space<hbm>>, %arg6: memref<34848xi32, #tpu.memory_space<vmem>>, %arg7: memref<34848xi32, #tpu.memory_space<vmem>>, %arg8: memref<34848xi32, #tpu.memory_space<vmem>>, %arg9: memref<8x256xf32, #tpu.memory_space<vmem>>, %arg10: memref<8x256xf32, #tpu.memory_space<vmem>>, %arg11: memref<8x256xf32, #tpu.memory_space<vmem>>, %arg12: memref<8x256xf32, #tpu.memory_space<vmem>>, %arg13: memref<8x256xf32, #tpu.memory_space<vmem>>, %arg14: memref<8x256xf32, #tpu.memory_space<vmem>>, %arg15: memref<8x256xf32, #tpu.memory_space<vmem>>, %arg16: memref<8x256xf32, #tpu.memory_space<vmem>>, %arg17: memref<8x256xf32, #tpu.memory_space<vmem>>, %arg18: memref<8x256xf32, #tpu.memory_space<vmem>>, %arg19: memref<8x256xf32, #tpu.memory_space<vmem>>, %arg20: memref<8x256xf32, #tpu.memory_space<vmem>>, %arg21: memref<!tpu.dma_semaphore, #tpu.memory_space<semaphore_mem>>, %arg22: memref<!tpu.dma_semaphore, #tpu.memory_space<semaphore_mem>>, %arg23: memref<!tpu.dma_semaphore, #tpu.memory_space<semaphore_mem>>, %arg24: memref<!tpu.dma_semaphore, #tpu.memory_space<semaphore_mem>>) attributes {dimension_semantics = [#tpu.dimension_semantics<core_parallel>, #tpu.dimension_semantics<subcore_parallel>], iteration_bounds = array<i64: 2, 16>, scalar_prefetch = 0 : i64, scratch_operands = 19 : i64, tpu.core_type = #tpu.core_type<sc_vector_subcore>, window_params = [{transform_indices = #map}, {transform_indices = #map1}, {transform_indices = #map}, {transform_indices = #map1}]} {
    %empty_ref3A = memref.alloca() : memref<16xf32, #tpu.memory_space<vmem>>
    "tpu.region"() ({
      %run_scoped3A = tpu.sem_alloc : memref<!tpu.dma_semaphore, #tpu.memory_space<semaphore_mem>>
      %dma_start3A_126 = arith.constant 0 : i32
      %dma_start3A_127 = tpu.memref_slice %empty_ref3A[%dma_start3A_126] : memref<16xf32, #tpu.memory_space<vmem>> -> memref<1xf32, #tpu.memory_space<vmem>>
      %dma_start3A_128 = arith.constant 0 : i32
      %dma_start3A_129 = tpu.memref_slice %empty_ref3A[%dma_start3A_128] : memref<16xf32, #tpu.memory_space<vmem>> -> memref<1xf32, #tpu.memory_space<vmem>>
      tpu.enqueue_dma source(%arg4 : memref<1xf32, #tpu.memory_space<hbm>>) target(%dma_start3A_129 : memref<1xf32, #tpu.memory_space<vmem>>) target_semaphore(%run_scoped3A : memref<!tpu.dma_semaphore, #tpu.memory_space<semaphore_mem>>)
      %dma_wait3A_130 = arith.constant 0 : i32
      %dma_wait3A_131 = tpu.memref_slice %empty_ref3A[%dma_wait3A_130] : memref<16xf32, #tpu.memory_space<vmem>> -> memref<1xf32, #tpu.memory_space<vmem>>
      %dma_wait3A_132 = arith.constant 0 : i32
      %dma_wait3A_133 = tpu.memref_slice %empty_ref3A[%dma_wait3A_132] : memref<16xf32, #tpu.memory_space<vmem>> -> memref<1xf32, #tpu.memory_space<vmem>>
      tpu.wait_dma2 semaphore(%run_scoped3A : memref<!tpu.dma_semaphore, #tpu.memory_space<semaphore_mem>>) src(%arg4 : memref<1xf32, #tpu.memory_space<hbm>>) dst(%dma_wait3A_133 : memref<1xf32, #tpu.memory_space<vmem>>)
      tpu.yield
    }) : () -> ()
    %get3A = arith.constant 0 : index
    %get3A_0 = tpu.vector_load %empty_ref3A[%get3A] {strides = array<i32>} : memref<16xf32, #tpu.memory_space<vmem>>, vector<16xf32>,
    %slice3A = vector.extract_strided_slice %get3A_0 {offsets = [0], sizes = [1], strides = [1]} : vector<16xf32> to vector<1xf32>
    %squeeze3A = vector.extract %slice3A[0] : f32 from vector<1xf32>
    %mul3A = arith.constant 2 : i32
    %mul3A_1 = arith.muli %arg1, %mul3A : i32
    %add3A = arith.addi %mul3A_1, %arg0 : i32
    "tpu.region"() ({
      %run_scoped3A = tpu.sem_alloc : memref<!tpu.dma_semaphore, #tpu.memory_space<semaphore_mem>>
      %dma_start3A_126 = arith.constant 0 : i32
      %dma_start3A_127 = tpu.memref_slice %arg2[%dma_start3A_126] : memref<104544xi32, #tpu.memory_space<hbm>> -> memref<34848xi32, #tpu.memory_space<hbm>>
      %dma_start3A_128 = arith.constant 0 : i32
      %dma_start3A_129 = tpu.memref_slice %arg2[%dma_start3A_128] : memref<104544xi32, #tpu.memory_space<hbm>> -> memref<34848xi32, #tpu.memory_space<hbm>>
      tpu.enqueue_dma source(%dma_start3A_129 : memref<34848xi32, #tpu.memory_space<hbm>>) target(%arg6 : memref<34848xi32, #tpu.memory_space<vmem>>) target_semaphore(%run_scoped3A : memref<!tpu.dma_semaphore, #tpu.memory_space<semaphore_mem>>)
      %dma_wait3A_130 = arith.constant 0 : i32
      %dma_wait3A_131 = tpu.memref_slice %arg2[%dma_wait3A_130] : memref<104544xi32, #tpu.memory_space<hbm>> -> memref<34848xi32, #tpu.memory_space<hbm>>
      %dma_wait3A_132 = arith.constant 0 : i32
      %dma_wait3A_133 = tpu.memref_slice %arg2[%dma_wait3A_132] : memref<104544xi32, #tpu.memory_space<hbm>> -> memref<34848xi32, #tpu.memory_space<hbm>>
      tpu.wait_dma2 semaphore(%run_scoped3A : memref<!tpu.dma_semaphore, #tpu.memory_space<semaphore_mem>>) src(%dma_wait3A_133 : memref<34848xi32, #tpu.memory_space<hbm>>) dst(%arg6 : memref<34848xi32, #tpu.memory_space<vmem>>)
      tpu.yield
    }) : () -> ()
    "tpu.region"() ({
      %run_scoped3A = tpu.sem_alloc : memref<!tpu.dma_semaphore, #tpu.memory_space<semaphore_mem>>
      %dma_start3A_126 = arith.constant 34848 : i32
      %dma_start3A_127 = tpu.memref_slice %arg2[%dma_start3A_126] : memref<104544xi32, #tpu.memory_space<hbm>> -> memref<34848xi32, #tpu.memory_space<hbm>>
      %dma_start3A_128 = arith.constant 34848 : i32
      %dma_start3A_129 = tpu.memref_slice %arg2[%dma_start3A_128] : memref<104544xi32, #tpu.memory_space<hbm>> -> memref<34848xi32, #tpu.memory_space<hbm>>
      tpu.enqueue_dma source(%dma_start3A_129 : memref<34848xi32, #tpu.memory_space<hbm>>) target(%arg7 : memref<34848xi32, #tpu.memory_space<vmem>>) target_semaphore(%run_scoped3A : memref<!tpu.dma_semaphore, #tpu.memory_space<semaphore_mem>>)
      %dma_wait3A_130 = arith.constant 34848 : i32
      %dma_wait3A_131 = tpu.memref_slice %arg2[%dma_wait3A_130] : memref<104544xi32, #tpu.memory_space<hbm>> -> memref<34848xi32, #tpu.memory_space<hbm>>
      %dma_wait3A_132 = arith.constant 34848 : i32
      %dma_wait3A_133 = tpu.memref_slice %arg2[%dma_wait3A_132] : memref<104544xi32, #tpu.memory_space<hbm>> -> memref<34848xi32, #tpu.memory_space<hbm>>
      tpu.wait_dma2 semaphore(%run_scoped3A : memref<!tpu.dma_semaphore, #tpu.memory_space<semaphore_mem>>) src(%dma_wait3A_133 : memref<34848xi32, #tpu.memory_space<hbm>>) dst(%arg7 : memref<34848xi32, #tpu.memory_space<vmem>>)
      tpu.yield
    }) : () -> ()
    "tpu.region"() ({
      %run_scoped3A = tpu.sem_alloc : memref<!tpu.dma_semaphore, #tpu.memory_space<semaphore_mem>>
      %dma_start3A_126 = arith.constant 69696 : i32
      %dma_start3A_127 = tpu.memref_slice %arg2[%dma_start3A_126] : memref<104544xi32, #tpu.memory_space<hbm>> -> memref<34848xi32, #tpu.memory_space<hbm>>
      %dma_start3A_128 = arith.constant 69696 : i32
      %dma_start3A_129 = tpu.memref_slice %arg2[%dma_start3A_128] : memref<104544xi32, #tpu.memory_space<hbm>> -> memref<34848xi32, #tpu.memory_space<hbm>>
      tpu.enqueue_dma source(%dma_start3A_129 : memref<34848xi32, #tpu.memory_space<hbm>>) target(%arg8 : memref<34848xi32, #tpu.memory_space<vmem>>) target_semaphore(%run_scoped3A : memref<!tpu.dma_semaphore, #tpu.memory_space<semaphore_mem>>)
      %dma_wait3A_130 = arith.constant 69696 : i32
      %dma_wait3A_131 = tpu.memref_slice %arg2[%dma_wait3A_130] : memref<104544xi32, #tpu.memory_space<hbm>> -> memref<34848xi32, #tpu.memory_space<hbm>>
      %dma_wait3A_132 = arith.constant 69696 : i32
      %dma_wait3A_133 = tpu.memref_slice %arg2[%dma_wait3A_132] : memref<104544xi32, #tpu.memory_space<hbm>> -> memref<34848xi32, #tpu.memory_space<hbm>>
      tpu.wait_dma2 semaphore(%run_scoped3A : memref<!tpu.dma_semaphore, #tpu.memory_space<semaphore_mem>>) src(%dma_wait3A_133 : memref<34848xi32, #tpu.memory_space<hbm>>) dst(%arg8 : memref<34848xi32, #tpu.memory_space<vmem>>)
      tpu.yield
    }) : () -> ()
    %min3A = arith.constant 0 : i32
    %min3A_2 = arith.constant 63 : i32
    %min3A_3 = arith.minsi %min3A, %min3A_2 : i32
    %shift_right_logical3A = arith.constant 2 : i32
    %shift_right_logical3A_4 = arith.shrui %min3A_3, %shift_right_logical3A : i32
    %and3A = arith.constant 3 : i32
    %and3A_5 = arith.andi %min3A_3, %and3A : i32
    %mul3A_6 = arith.constant 4 : i32
    %mul3A_7 = arith.muli %add3A, %mul3A_6 : i32
    %add3A_8 = arith.addi %mul3A_7, %and3A_5 : i32
    %shift_right_logical3A_9 = arith.constant 1 : i32
    %shift_right_logical3A_10 = arith.shrui %add3A_8, %shift_right_logical3A_9 : i32
    %shift_left3A = arith.constant 3 : i32
    %shift_left3A_11 = arith.shli %shift_right_logical3A_10, %shift_left3A : i32
    %multiple_of3A = tpu.assume_multiple %shift_left3A_11, 8 : i32
    %and3A_12 = arith.constant 1 : i32
    %and3A_13 = arith.andi %add3A_8, %and3A_12 : i32
    %shift_left3A_14 = arith.constant 8 : i32
    %shift_left3A_15 = arith.shli %and3A_13, %shift_left3A_14 : i32
    %multiple_of3A_16 = tpu.assume_multiple %shift_left3A_15, 256 : i32
    %dma_start3A = arith.constant 0 : i32
    %dma_start3A_17 = tpu.memref_slice %arg3[%shift_right_logical3A_4, %dma_start3A, %multiple_of3A, %multiple_of3A_16] : memref<16x3x512x512xf32, #tpu.memory_space<hbm>> -> memref<1x1x8x256xf32, #tpu.memory_space<hbm>>
    %dma_start3A_18 = tpu.memref_squeeze %dma_start3A_17 : memref<1x1x8x256xf32, #tpu.memory_space<hbm>> -> memref<8x256xf32, #tpu.memory_space<hbm>>
    %dma_start3A_19 = tpu.memref_slice %arg3[%shift_right_logical3A_4, %dma_start3A, %multiple_of3A, %multiple_of3A_16] : memref<16x3x512x512xf32, #tpu.memory_space<hbm>> -> memref<1x1x8x256xf32, #tpu.memory_space<hbm>>
    %dma_start3A_20 = tpu.memref_squeeze %dma_start3A_19 : memref<1x1x8x256xf32, #tpu.memory_space<hbm>> -> memref<8x256xf32, #tpu.memory_space<hbm>>
    tpu.enqueue_dma source(%dma_start3A_20 : memref<8x256xf32, #tpu.memory_space<hbm>>) target(%arg9 : memref<8x256xf32, #tpu.memory_space<vmem>>) target_semaphore(%arg21 : memref<!tpu.dma_semaphore, #tpu.memory_space<semaphore_mem>>)
    %dma_start3A_21 = arith.constant 1 : i32
    %dma_start3A_22 = tpu.memref_slice %arg3[%shift_right_logical3A_4, %dma_start3A_21, %multiple_of3A, %multiple_of3A_16] : memref<16x3x512x512xf32, #tpu.memory_space<hbm>> -> memref<1x1x8x256xf32, #tpu.memory_space<hbm>>
    %dma_start3A_23 = tpu.memref_squeeze %dma_start3A_22 : memref<1x1x8x256xf32, #tpu.memory_space<hbm>> -> memref<8x256xf32, #tpu.memory_space<hbm>>
    %dma_start3A_24 = tpu.memref_slice %arg3[%shift_right_logical3A_4, %dma_start3A_21, %multiple_of3A, %multiple_of3A_16] : memref<16x3x512x512xf32, #tpu.memory_space<hbm>> -> memref<1x1x8x256xf32, #tpu.memory_space<hbm>>
    %dma_start3A_25 = tpu.memref_squeeze %dma_start3A_24 : memref<1x1x8x256xf32, #tpu.memory_space<hbm>> -> memref<8x256xf32, #tpu.memory_space<hbm>>
    tpu.enqueue_dma source(%dma_start3A_25 : memref<8x256xf32, #tpu.memory_space<hbm>>) target(%arg10 : memref<8x256xf32, #tpu.memory_space<vmem>>) target_semaphore(%arg21 : memref<!tpu.dma_semaphore, #tpu.memory_space<semaphore_mem>>)
    %dma_start3A_26 = arith.constant 2 : i32
    %dma_start3A_27 = tpu.memref_slice %arg3[%shift_right_logical3A_4, %dma_start3A_26, %multiple_of3A, %multiple_of3A_16] : memref<16x3x512x512xf32, #tpu.memory_space<hbm>> -> memref<1x1x8x256xf32, #tpu.memory_space<hbm>>
    %dma_start3A_28 = tpu.memref_squeeze %dma_start3A_27 : memref<1x1x8x256xf32, #tpu.memory_space<hbm>> -> memref<8x256xf32, #tpu.memory_space<hbm>>
    %dma_start3A_29 = tpu.memref_slice %arg3[%shift_right_logical3A_4, %dma_start3A_26, %multiple_of3A, %multiple_of3A_16] : memref<16x3x512x512xf32, #tpu.memory_space<hbm>> -> memref<1x1x8x256xf32, #tpu.memory_space<hbm>>
    %dma_start3A_30 = tpu.memref_squeeze %dma_start3A_29 : memref<1x1x8x256xf32, #tpu.memory_space<hbm>> -> memref<8x256xf32, #tpu.memory_space<hbm>>
    tpu.enqueue_dma source(%dma_start3A_30 : memref<8x256xf32, #tpu.memory_space<hbm>>) target(%arg11 : memref<8x256xf32, #tpu.memory_space<vmem>>) target_semaphore(%arg21 : memref<!tpu.dma_semaphore, #tpu.memory_space<semaphore_mem>>)
    %scan3A = arith.constant 0 : i32
    %scan3A_31 = arith.constant 0 : i32
    %scan3A_32 = arith.constant 32 : i32
    %scan3A_33 = arith.addi %scan3A_31, %scan3A_32 : i32
    %scan3A_34 = arith.constant 1 : i32
    %scan3A_35 = scf.for %scan3A_126 = %scan3A_31 to %scan3A_33 step %scan3A_34 iter_args(%scan3A_127 = %scan3A) -> (i32)  : i32 {
      %mul3A_128 = arith.constant 2 : i32
      %mul3A_129 = arith.muli %mul3A_128, %scan3A_126 : i32
      %add3A_130 = arith.constant 0 : i32
      %add3A_131 = arith.addi %mul3A_129, %add3A_130 : i32
      %add3A_132 = arith.constant 1 : i32
      %add3A_133 = arith.addi %add3A_131, %add3A_132 : i32
      %min3A_134 = arith.constant 63 : i32
      %min3A_135 = arith.minsi %add3A_133, %min3A_134 : i32
      %shift_right_logical3A_136 = arith.constant 2 : i32
      %shift_right_logical3A_137 = arith.shrui %min3A_135, %shift_right_logical3A_136 : i32
      %and3A_138 = arith.constant 3 : i32
      %and3A_139 = arith.andi %min3A_135, %and3A_138 : i32
      %mul3A_140 = arith.constant 4 : i32
      %mul3A_141 = arith.muli %add3A, %mul3A_140 : i32
      %add3A_142 = arith.addi %mul3A_141, %and3A_139 : i32
      %shift_right_logical3A_143 = arith.constant 1 : i32
      %shift_right_logical3A_144 = arith.shrui %add3A_142, %shift_right_logical3A_143 : i32
      %shift_left3A_145 = arith.constant 3 : i32
      %shift_left3A_146 = arith.shli %shift_right_logical3A_144, %shift_left3A_145 : i32
      %multiple_of3A_147 = tpu.assume_multiple %shift_left3A_146, 8 : i32
      %and3A_148 = arith.constant 1 : i32
      %and3A_149 = arith.andi %add3A_142, %and3A_148 : i32
      %shift_left3A_150 = arith.constant 8 : i32
      %shift_left3A_151 = arith.shli %and3A_149, %shift_left3A_150 : i32
      %multiple_of3A_152 = tpu.assume_multiple %shift_left3A_151, 256 : i32
      %dma_start3A_153 = arith.constant 0 : i32
      %dma_start3A_154 = tpu.memref_slice %arg3[%shift_right_logical3A_137, %dma_start3A_153, %multiple_of3A_147, %multiple_of3A_152] : memref<16x3x512x512xf32, #tpu.memory_space<hbm>> -> memref<1x1x8x256xf32, #tpu.memory_space<hbm>>
      %dma_start3A_155 = tpu.memref_squeeze %dma_start3A_154 : memref<1x1x8x256xf32, #tpu.memory_space<hbm>> -> memref<8x256xf32, #tpu.memory_space<hbm>>
      %dma_start3A_156 = tpu.memref_slice %arg3[%shift_right_logical3A_137, %dma_start3A_153, %multiple_of3A_147, %multiple_of3A_152] : memref<16x3x512x512xf32, #tpu.memory_space<hbm>> -> memref<1x1x8x256xf32, #tpu.memory_space<hbm>>
      %dma_start3A_157 = tpu.memref_squeeze %dma_start3A_156 : memref<1x1x8x256xf32, #tpu.memory_space<hbm>> -> memref<8x256xf32, #tpu.memory_space<hbm>>
      tpu.enqueue_dma source(%dma_start3A_157 : memref<8x256xf32, #tpu.memory_space<hbm>>) target(%arg12 : memref<8x256xf32, #tpu.memory_space<vmem>>) target_semaphore(%arg22 : memref<!tpu.dma_semaphore, #tpu.memory_space<semaphore_mem>>)
      %dma_start3A_158 = arith.constant 1 : i32
      %dma_start3A_159 = tpu.memref_slice %arg3[%shift_right_logical3A_137, %dma_start3A_158, %multiple_of3A_147, %multiple_of3A_152] : memref<16x3x512x512xf32, #tpu.memory_space<hbm>> -> memref<1x1x8x256xf32, #tpu.memory_space<hbm>>
      %dma_start3A_160 = tpu.memref_squeeze %dma_start3A_159 : memref<1x1x8x256xf32, #tpu.memory_space<hbm>> -> memref<8x256xf32, #tpu.memory_space<hbm>>
      %dma_start3A_161 = tpu.memref_slice %arg3[%shift_right_logical3A_137, %dma_start3A_158, %multiple_of3A_147, %multiple_of3A_152] : memref<16x3x512x512xf32, #tpu.memory_space<hbm>> -> memref<1x1x8x256xf32, #tpu.memory_space<hbm>>
      %dma_start3A_162 = tpu.memref_squeeze %dma_start3A_161 : memref<1x1x8x256xf32, #tpu.memory_space<hbm>> -> memref<8x256xf32, #tpu.memory_space<hbm>>
      tpu.enqueue_dma source(%dma_start3A_162 : memref<8x256xf32, #tpu.memory_space<hbm>>) target(%arg13 : memref<8x256xf32, #tpu.memory_space<vmem>>) target_semaphore(%arg22 : memref<!tpu.dma_semaphore, #tpu.memory_space<semaphore_mem>>)
      %dma_start3A_163 = arith.constant 2 : i32
      %dma_start3A_164 = tpu.memref_slice %arg3[%shift_right_logical3A_137, %dma_start3A_163, %multiple_of3A_147, %multiple_of3A_152] : memref<16x3x512x512xf32, #tpu.memory_space<hbm>> -> memref<1x1x8x256xf32, #tpu.memory_space<hbm>>
      %dma_start3A_165 = tpu.memref_squeeze %dma_start3A_164 : memref<1x1x8x256xf32, #tpu.memory_space<hbm>> -> memref<8x256xf32, #tpu.memory_space<hbm>>
      %dma_start3A_166 = tpu.memref_slice %arg3[%shift_right_logical3A_137, %dma_start3A_163, %multiple_of3A_147, %multiple_of3A_152] : memref<16x3x512x512xf32, #tpu.memory_space<hbm>> -> memref<1x1x8x256xf32, #tpu.memory_space<hbm>>
      %dma_start3A_167 = tpu.memref_squeeze %dma_start3A_166 : memref<1x1x8x256xf32, #tpu.memory_space<hbm>> -> memref<8x256xf32, #tpu.memory_space<hbm>>
      tpu.enqueue_dma source(%dma_start3A_167 : memref<8x256xf32, #tpu.memory_space<hbm>>) target(%arg14 : memref<8x256xf32, #tpu.memory_space<vmem>>) target_semaphore(%arg22 : memref<!tpu.dma_semaphore, #tpu.memory_space<semaphore_mem>>)
      %dma_wait3A_168 = arith.constant 0 : i32
      %dma_wait3A_169 = arith.constant 0 : i32
      %dma_wait3A_170 = arith.constant 0 : i32
      %dma_wait3A_171 = arith.constant 0 : i32
      %dma_wait3A_172 = tpu.memref_slice %arg3[%dma_wait3A_168, %dma_wait3A_169, %dma_wait3A_170, %dma_wait3A_171] : memref<16x3x512x512xf32, #tpu.memory_space<hbm>> -> memref<1x1x8x256xf32, #tpu.memory_space<hbm>>
      %dma_wait3A_173 = tpu.memref_squeeze %dma_wait3A_172 : memref<1x1x8x256xf32, #tpu.memory_space<hbm>> -> memref<8x256xf32, #tpu.memory_space<hbm>>
      %dma_wait3A_174 = arith.constant 0 : i32
      %dma_wait3A_175 = arith.constant 0 : i32
      %dma_wait3A_176 = tpu.memref_slice %arg3[%dma_wait3A_168, %dma_wait3A_169, %dma_wait3A_174, %dma_wait3A_175] : memref<16x3x512x512xf32, #tpu.memory_space<hbm>> -> memref<1x1x8x256xf32, #tpu.memory_space<hbm>>
      %dma_wait3A_177 = tpu.memref_squeeze %dma_wait3A_176 : memref<1x1x8x256xf32, #tpu.memory_space<hbm>> -> memref<8x256xf32, #tpu.memory_space<hbm>>
      tpu.wait_dma2 semaphore(%arg21 : memref<!tpu.dma_semaphore, #tpu.memory_space<semaphore_mem>>) src(%dma_wait3A_177 : memref<8x256xf32, #tpu.memory_space<hbm>>) dst(%arg9 : memref<8x256xf32, #tpu.memory_space<vmem>>)
      %dma_wait3A_178 = arith.constant 0 : i32
      %dma_wait3A_179 = arith.constant 0 : i32
      %dma_wait3A_180 = arith.constant 0 : i32
      %dma_wait3A_181 = arith.constant 0 : i32
      %dma_wait3A_182 = tpu.memref_slice %arg3[%dma_wait3A_178, %dma_wait3A_179, %dma_wait3A_180, %dma_wait3A_181] : memref<16x3x512x512xf32, #tpu.memory_space<hbm>> -> memref<1x1x8x256xf32, #tpu.memory_space<hbm>>
      %dma_wait3A_183 = tpu.memref_squeeze %dma_wait3A_182 : memref<1x1x8x256xf32, #tpu.memory_space<hbm>> -> memref<8x256xf32, #tpu.memory_space<hbm>>
      %dma_wait3A_184 = arith.constant 0 : i32
      %dma_wait3A_185 = arith.constant 0 : i32
      %dma_wait3A_186 = tpu.memref_slice %arg3[%dma_wait3A_178, %dma_wait3A_179, %dma_wait3A_184, %dma_wait3A_185] : memref<16x3x512x512xf32, #tpu.memory_space<hbm>> -> memref<1x1x8x256xf32, #tpu.memory_space<hbm>>
      %dma_wait3A_187 = tpu.memref_squeeze %dma_wait3A_186 : memref<1x1x8x256xf32, #tpu.memory_space<hbm>> -> memref<8x256xf32, #tpu.memory_space<hbm>>
      tpu.wait_dma2 semaphore(%arg21 : memref<!tpu.dma_semaphore, #tpu.memory_space<semaphore_mem>>) src(%dma_wait3A_187 : memref<8x256xf32, #tpu.memory_space<hbm>>) dst(%arg10 : memref<8x256xf32, #tpu.memory_space<vmem>>)
      %dma_wait3A_188 = arith.constant 0 : i32
      %dma_wait3A_189 = arith.constant 0 : i32
      %dma_wait3A_190 = arith.constant 0 : i32
      %dma_wait3A_191 = arith.constant 0 : i32
      %dma_wait3A_192 = tpu.memref_slice %arg3[%dma_wait3A_188, %dma_wait3A_189, %dma_wait3A_190, %dma_wait3A_191] : memref<16x3x512x512xf32, #tpu.memory_space<hbm>> -> memref<1x1x8x256xf32, #tpu.memory_space<hbm>>
      %dma_wait3A_193 = tpu.memref_squeeze %dma_wait3A_192 : memref<1x1x8x256xf32, #tpu.memory_space<hbm>> -> memref<8x256xf32, #tpu.memory_space<hbm>>
      %dma_wait3A_194 = arith.constant 0 : i32
      %dma_wait3A_195 = arith.constant 0 : i32
      %dma_wait3A_196 = tpu.memref_slice %arg3[%dma_wait3A_188, %dma_wait3A_189, %dma_wait3A_194, %dma_wait3A_195] : memref<16x3x512x512xf32, #tpu.memory_space<hbm>> -> memref<1x1x8x256xf32, #tpu.memory_space<hbm>>
      %dma_wait3A_197 = tpu.memref_squeeze %dma_wait3A_196 : memref<1x1x8x256xf32, #tpu.memory_space<hbm>> -> memref<8x256xf32, #tpu.memory_space<hbm>>
      tpu.wait_dma2 semaphore(%arg21 : memref<!tpu.dma_semaphore, #tpu.memory_space<semaphore_mem>>) src(%dma_wait3A_197 : memref<8x256xf32, #tpu.memory_space<hbm>>) dst(%arg11 : memref<8x256xf32, #tpu.memory_space<vmem>>)
      %ge3A = arith.constant 1 : i32
      %ge3A_198 = arith.cmpi sge, %scan3A_126, %ge3A : i32
      %convert_element_type3A = arith.extui %ge3A_198 : i1 to i32
      %cond3A = arith.constant 0 : i32
      %cond3A_199 = arith.cmpi ne, %convert_element_type3A, %cond3A : i32
      scf.if %cond3A_199 {
        %dma_wait3A_345 = arith.constant 0 : i32
        %dma_wait3A_346 = arith.constant 0 : i32
        %dma_wait3A_347 = arith.constant 0 : i32
        %dma_wait3A_348 = arith.constant 0 : i32
        %dma_wait3A_349 = tpu.memref_slice %arg5[%dma_wait3A_345, %dma_wait3A_346, %dma_wait3A_347, %dma_wait3A_348] : memref<16x3x512x512xf32, #tpu.memory_space<hbm>> -> memref<1x1x8x256xf32, #tpu.memory_space<hbm>>
        %dma_wait3A_350 = tpu.memref_squeeze %dma_wait3A_349 : memref<1x1x8x256xf32, #tpu.memory_space<hbm>> -> memref<8x256xf32, #tpu.memory_space<hbm>>
        %dma_wait3A_351 = arith.constant 0 : i32
        %dma_wait3A_352 = arith.constant 0 : i32
        %dma_wait3A_353 = tpu.memref_slice %arg5[%dma_wait3A_345, %dma_wait3A_346, %dma_wait3A_351, %dma_wait3A_352] : memref<16x3x512x512xf32, #tpu.memory_space<hbm>> -> memref<1x1x8x256xf32, #tpu.memory_space<hbm>>
        %dma_wait3A_354 = tpu.memref_squeeze %dma_wait3A_353 : memref<1x1x8x256xf32, #tpu.memory_space<hbm>> -> memref<8x256xf32, #tpu.memory_space<hbm>>
        tpu.wait_dma2 semaphore(%arg23 : memref<!tpu.dma_semaphore, #tpu.memory_space<semaphore_mem>>) src(%arg15 : memref<8x256xf32, #tpu.memory_space<vmem>>) dst(%dma_wait3A_354 : memref<8x256xf32, #tpu.memory_space<hbm>>)
        %dma_wait3A_355 = arith.constant 0 : i32
        %dma_wait3A_356 = arith.constant 0 : i32
        %dma_wait3A_357 = arith.constant 0 : i32
        %dma_wait3A_358 = arith.constant 0 : i32
        %dma_wait3A_359 = tpu.memref_slice %arg5[%dma_wait3A_355, %dma_wait3A_356, %dma_wait3A_357, %dma_wait3A_358] : memref<16x3x512x512xf32, #tpu.memory_space<hbm>> -> memref<1x1x8x256xf32, #tpu.memory_space<hbm>>
        %dma_wait3A_360 = tpu.memref_squeeze %dma_wait3A_359 : memref<1x1x8x256xf32, #tpu.memory_space<hbm>> -> memref<8x256xf32, #tpu.memory_space<hbm>>
        %dma_wait3A_361 = arith.constant 0 : i32
        %dma_wait3A_362 = arith.constant 0 : i32
        %dma_wait3A_363 = tpu.memref_slice %arg5[%dma_wait3A_355, %dma_wait3A_356, %dma_wait3A_361, %dma_wait3A_362] : memref<16x3x512x512xf32, #tpu.memory_space<hbm>> -> memref<1x1x8x256xf32, #tpu.memory_space<hbm>>
        %dma_wait3A_364 = tpu.memref_squeeze %dma_wait3A_363 : memref<1x1x8x256xf32, #tpu.memory_space<hbm>> -> memref<8x256xf32, #tpu.memory_space<hbm>>
        tpu.wait_dma2 semaphore(%arg23 : memref<!tpu.dma_semaphore, #tpu.memory_space<semaphore_mem>>) src(%arg16 : memref<8x256xf32, #tpu.memory_space<vmem>>) dst(%dma_wait3A_364 : memref<8x256xf32, #tpu.memory_space<hbm>>)
        %dma_wait3A_365 = arith.constant 0 : i32
        %dma_wait3A_366 = arith.constant 0 : i32
        %dma_wait3A_367 = arith.constant 0 : i32
        %dma_wait3A_368 = arith.constant 0 : i32
        %dma_wait3A_369 = tpu.memref_slice %arg5[%dma_wait3A_365, %dma_wait3A_366, %dma_wait3A_367, %dma_wait3A_368] : memref<16x3x512x512xf32, #tpu.memory_space<hbm>> -> memref<1x1x8x256xf32, #tpu.memory_space<hbm>>
        %dma_wait3A_370 = tpu.memref_squeeze %dma_wait3A_369 : memref<1x1x8x256xf32, #tpu.memory_space<hbm>> -> memref<8x256xf32, #tpu.memory_space<hbm>>
        %dma_wait3A_371 = arith.constant 0 : i32
        %dma_wait3A_372 = arith.constant 0 : i32
        %dma_wait3A_373 = tpu.memref_slice %arg5[%dma_wait3A_365, %dma_wait3A_366, %dma_wait3A_371, %dma_wait3A_372] : memref<16x3x512x512xf32, #tpu.memory_space<hbm>> -> memref<1x1x8x256xf32, #tpu.memory_space<hbm>>
        %dma_wait3A_374 = tpu.memref_squeeze %dma_wait3A_373 : memref<1x1x8x256xf32, #tpu.memory_space<hbm>> -> memref<8x256xf32, #tpu.memory_space<hbm>>
        tpu.wait_dma2 semaphore(%arg23 : memref<!tpu.dma_semaphore, #tpu.memory_space<semaphore_mem>>) src(%arg17 : memref<8x256xf32, #tpu.memory_space<vmem>>) dst(%dma_wait3A_374 : memref<8x256xf32, #tpu.memory_space<hbm>>)
      } else {
      }
      %parallel_loop3A = arith.constant 0 : i32
      %parallel_loop3A_200 = arith.constant 128 : i32
      %parallel_loop3A_201 = arith.constant 1 : i32
      scf.for %parallel_loop3A_345 = %parallel_loop3A to %parallel_loop3A_200 step %parallel_loop3A_201  : i32 {
        %parallel_loop3A_346 = arith.constant 4 : i32
        %parallel_loop3A_347 = arith.shrui %parallel_loop3A_345, %parallel_loop3A_346 : i32
        %parallel_loop3A_348 = arith.constant 15 : i32
        %parallel_loop3A_349 = arith.andi %parallel_loop3A_345, %parallel_loop3A_348 : i32
        %parallel_loop3A_350 = arith.constant 4 : i32
        %parallel_loop3A_351 = arith.shli %parallel_loop3A_349, %parallel_loop3A_350 : i32
        %parallel_loop3A_352 = arith.index_cast %parallel_loop3A_347 : i32 to index
        %parallel_loop3A_353 = arith.index_cast %parallel_loop3A_351 : i32 to index
        %parallel_loop3A_354 = tpu.vector_load %arg9[%parallel_loop3A_352, %parallel_loop3A_353] {strides = array<i32>} : memref<8x256xf32, #tpu.memory_space<vmem>>, vector<16xf32>,
        %parallel_loop3A_355 = vector.broadcast %squeeze3A : f32 to vector<16xf32>
        %parallel_loop3A_356 = arith.mulf %parallel_loop3A_354, %parallel_loop3A_355 : vector<16xf32>
        %parallel_loop3A_357 = arith.index_cast %parallel_loop3A_347 : i32 to index
        %parallel_loop3A_358 = arith.index_cast %parallel_loop3A_351 : i32 to index
        %parallel_loop3A_359 = tpu.vector_load %arg10[%parallel_loop3A_357, %parallel_loop3A_358] {strides = array<i32>} : memref<8x256xf32, #tpu.memory_space<vmem>>, vector<16xf32>,
        %parallel_loop3A_360 = vector.broadcast %squeeze3A : f32 to vector<16xf32>
        %parallel_loop3A_361 = arith.mulf %parallel_loop3A_359, %parallel_loop3A_360 : vector<16xf32>
        %parallel_loop3A_362 = arith.index_cast %parallel_loop3A_347 : i32 to index
        %parallel_loop3A_363 = arith.index_cast %parallel_loop3A_351 : i32 to index
        %parallel_loop3A_364 = tpu.vector_load %arg11[%parallel_loop3A_362, %parallel_loop3A_363] {strides = array<i32>} : memref<8x256xf32, #tpu.memory_space<vmem>>, vector<16xf32>,
        %parallel_loop3A_365 = vector.broadcast %squeeze3A : f32 to vector<16xf32>
        %parallel_loop3A_366 = arith.mulf %parallel_loop3A_364, %parallel_loop3A_365 : vector<16xf32>
        %parallel_loop3A_367 = arith.fptosi %parallel_loop3A_356 : vector<16xf32> to vector<16xi32>
        %parallel_loop3A_368 = arith.fptosi %parallel_loop3A_361 : vector<16xf32> to vector<16xi32>
        %parallel_loop3A_369 = arith.fptosi %parallel_loop3A_366 : vector<16xf32> to vector<16xi32>
        %parallel_loop3A_370 = arith.sitofp %parallel_loop3A_367 : vector<16xi32> to vector<16xf32>
        %parallel_loop3A_371 = arith.subf %parallel_loop3A_356, %parallel_loop3A_370 : vector<16xf32>
        %parallel_loop3A_372 = arith.sitofp %parallel_loop3A_368 : vector<16xi32> to vector<16xf32>
        %parallel_loop3A_373 = arith.subf %parallel_loop3A_361, %parallel_loop3A_372 : vector<16xf32>
        %parallel_loop3A_374 = arith.sitofp %parallel_loop3A_369 : vector<16xi32> to vector<16xf32>
        %parallel_loop3A_375 = arith.subf %parallel_loop3A_366, %parallel_loop3A_374 : vector<16xf32>
        %parallel_loop3A_376 = arith.constant 1056 : i32
        %parallel_loop3A_377 = vector.broadcast %parallel_loop3A_376 : i32 to vector<16xi32>
        %parallel_loop3A_378 = arith.muli %parallel_loop3A_369, %parallel_loop3A_377 : vector<16xi32>
        %parallel_loop3A_379 = arith.constant 32 : i32
        %parallel_loop3A_380 = vector.broadcast %parallel_loop3A_379 : i32 to vector<16xi32>
        %parallel_loop3A_381 = arith.muli %parallel_loop3A_368, %parallel_loop3A_380 : vector<16xi32>
        %parallel_loop3A_382 = arith.addi %parallel_loop3A_378, %parallel_loop3A_381 : vector<16xi32>
        %parallel_loop3A_383 = arith.addi %parallel_loop3A_382, %parallel_loop3A_367 : vector<16xi32>
        %parallel_loop3A_384 = arith.constant 1.000000e+00 : f32
        %parallel_loop3A_385 = vector.broadcast %parallel_loop3A_384 : f32 to vector<16xf32>
        %parallel_loop3A_386 = arith.subf %parallel_loop3A_385, %parallel_loop3A_371 : vector<16xf32>
        %parallel_loop3A_387 = tpu.pack_subelements %parallel_loop3A_386, %parallel_loop3A_371 {pack_format = #tpu.pack_format<interleaved>, positions = array<i32: 0, 1>} : vector<16xf32>, vector<16xf32> -> vector<32xbf16>
        %parallel_loop3A_388 = arith.mulf %parallel_loop3A_373, %parallel_loop3A_375 : vector<16xf32>
        %parallel_loop3A_389 = arith.subf %parallel_loop3A_373, %parallel_loop3A_388 : vector<16xf32>
        %parallel_loop3A_390 = arith.subf %parallel_loop3A_375, %parallel_loop3A_388 : vector<16xf32>
        %parallel_loop3A_391 = arith.constant 1.000000e+00 : f32
        %parallel_loop3A_392 = vector.broadcast %parallel_loop3A_391 : f32 to vector<16xf32>
        %parallel_loop3A_393 = arith.subf %parallel_loop3A_392, %parallel_loop3A_373 : vector<16xf32>
        %parallel_loop3A_394 = arith.subf %parallel_loop3A_393, %parallel_loop3A_390 : vector<16xf32>
        %parallel_loop3A_395 = arith.constant 0.000000e+00 : bf16
        %parallel_loop3A_396 = vector.broadcast %parallel_loop3A_395 : bf16 to vector<32xbf16>
        %parallel_loop3A_397 = arith.constant 0.000000e+00 : bf16
        %parallel_loop3A_398 = vector.broadcast %parallel_loop3A_397 : bf16 to vector<32xbf16>
        %parallel_loop3A_399 = arith.constant 0.000000e+00 : bf16
        %parallel_loop3A_400 = vector.broadcast %parallel_loop3A_399 : bf16 to vector<32xbf16>
        %parallel_loop3A_401 = tpu.pack_subelements %parallel_loop3A_394, %parallel_loop3A_394 {pack_format = #tpu.pack_format<interleaved>, positions = array<i32: 0, 1>} : vector<16xf32>, vector<16xf32> -> vector<32xbf16>
        %parallel_loop3A_402 = tpu.vector_load_idx %arg6[%parallel_loop3A_383] : memref<34848xi32, #tpu.memory_space<vmem>>[vector<16xi32>], vector<16xi32>,
        %parallel_loop3A_403 = vector.bitcast %parallel_loop3A_402 : vector<16xi32> to vector<32xbf16>
        %parallel_loop3A_404 = arith.mulf %parallel_loop3A_401, %parallel_loop3A_403 : vector<32xbf16>
        %parallel_loop3A_405 = arith.addf %parallel_loop3A_396, %parallel_loop3A_404 : vector<32xbf16>
        %parallel_loop3A_406 = tpu.vector_load_idx %arg7[%parallel_loop3A_383] : memref<34848xi32, #tpu.memory_space<vmem>>[vector<16xi32>], vector<16xi32>,
        %parallel_loop3A_407 = vector.bitcast %parallel_loop3A_406 : vector<16xi32> to vector<32xbf16>
        %parallel_loop3A_408 = arith.mulf %parallel_loop3A_401, %parallel_loop3A_407 : vector<32xbf16>
        %parallel_loop3A_409 = arith.addf %parallel_loop3A_398, %parallel_loop3A_408 : vector<32xbf16>
        %parallel_loop3A_410 = tpu.vector_load_idx %arg8[%parallel_loop3A_383] : memref<34848xi32, #tpu.memory_space<vmem>>[vector<16xi32>], vector<16xi32>,
        %parallel_loop3A_411 = vector.bitcast %parallel_loop3A_410 : vector<16xi32> to vector<32xbf16>
        %parallel_loop3A_412 = arith.mulf %parallel_loop3A_401, %parallel_loop3A_411 : vector<32xbf16>
        %parallel_loop3A_413 = arith.addf %parallel_loop3A_400, %parallel_loop3A_412 : vector<32xbf16>
        %parallel_loop3A_414 = tpu.pack_subelements %parallel_loop3A_390, %parallel_loop3A_390 {pack_format = #tpu.pack_format<interleaved>, positions = array<i32: 0, 1>} : vector<16xf32>, vector<16xf32> -> vector<32xbf16>
        %parallel_loop3A_415 = arith.constant 1056 : i32
        %parallel_loop3A_416 = vector.broadcast %parallel_loop3A_415 : i32 to vector<16xi32>
        %parallel_loop3A_417 = arith.addi %parallel_loop3A_383, %parallel_loop3A_416 : vector<16xi32>
        %parallel_loop3A_418 = tpu.vector_load_idx %arg6[%parallel_loop3A_417] : memref<34848xi32, #tpu.memory_space<vmem>>[vector<16xi32>], vector<16xi32>,
        %parallel_loop3A_419 = vector.bitcast %parallel_loop3A_418 : vector<16xi32> to vector<32xbf16>
        %parallel_loop3A_420 = arith.mulf %parallel_loop3A_414, %parallel_loop3A_419 : vector<32xbf16>
        %parallel_loop3A_421 = arith.addf %parallel_loop3A_405, %parallel_loop3A_420 : vector<32xbf16>
        %parallel_loop3A_422 = tpu.vector_load_idx %arg7[%parallel_loop3A_417] : memref<34848xi32, #tpu.memory_space<vmem>>[vector<16xi32>], vector<16xi32>,
        %parallel_loop3A_423 = vector.bitcast %parallel_loop3A_422 : vector<16xi32> to vector<32xbf16>
        %parallel_loop3A_424 = arith.mulf %parallel_loop3A_414, %parallel_loop3A_423 : vector<32xbf16>
        %parallel_loop3A_425 = arith.addf %parallel_loop3A_409, %parallel_loop3A_424 : vector<32xbf16>
        %parallel_loop3A_426 = tpu.vector_load_idx %arg8[%parallel_loop3A_417] : memref<34848xi32, #tpu.memory_space<vmem>>[vector<16xi32>], vector<16xi32>,
        %parallel_loop3A_427 = vector.bitcast %parallel_loop3A_426 : vector<16xi32> to vector<32xbf16>
        %parallel_loop3A_428 = arith.mulf %parallel_loop3A_414, %parallel_loop3A_427 : vector<32xbf16>
        %parallel_loop3A_429 = arith.addf %parallel_loop3A_413, %parallel_loop3A_428 : vector<32xbf16>
        %parallel_loop3A_430 = tpu.pack_subelements %parallel_loop3A_389, %parallel_loop3A_389 {pack_format = #tpu.pack_format<interleaved>, positions = array<i32: 0, 1>} : vector<16xf32>, vector<16xf32> -> vector<32xbf16>
        %parallel_loop3A_431 = arith.constant 32 : i32
        %parallel_loop3A_432 = vector.broadcast %parallel_loop3A_431 : i32 to vector<16xi32>
        %parallel_loop3A_433 = arith.addi %parallel_loop3A_383, %parallel_loop3A_432 : vector<16xi32>
        %parallel_loop3A_434 = tpu.vector_load_idx %arg6[%parallel_loop3A_433] : memref<34848xi32, #tpu.memory_space<vmem>>[vector<16xi32>], vector<16xi32>,
        %parallel_loop3A_435 = vector.bitcast %parallel_loop3A_434 : vector<16xi32> to vector<32xbf16>
        %parallel_loop3A_436 = arith.mulf %parallel_loop3A_430, %parallel_loop3A_435 : vector<32xbf16>
        %parallel_loop3A_437 = arith.addf %parallel_loop3A_421, %parallel_loop3A_436 : vector<32xbf16>
        %parallel_loop3A_438 = tpu.vector_load_idx %arg7[%parallel_loop3A_433] : memref<34848xi32, #tpu.memory_space<vmem>>[vector<16xi32>], vector<16xi32>,
        %parallel_loop3A_439 = vector.bitcast %parallel_loop3A_438 : vector<16xi32> to vector<32xbf16>
        %parallel_loop3A_440 = arith.mulf %parallel_loop3A_430, %parallel_loop3A_439 : vector<32xbf16>
        %parallel_loop3A_441 = arith.addf %parallel_loop3A_425, %parallel_loop3A_440 : vector<32xbf16>
        %parallel_loop3A_442 = tpu.vector_load_idx %arg8[%parallel_loop3A_433] : memref<34848xi32, #tpu.memory_space<vmem>>[vector<16xi32>], vector<16xi32>,
        %parallel_loop3A_443 = vector.bitcast %parallel_loop3A_442 : vector<16xi32> to vector<32xbf16>
        %parallel_loop3A_444 = arith.mulf %parallel_loop3A_430, %parallel_loop3A_443 : vector<32xbf16>
        %parallel_loop3A_445 = arith.addf %parallel_loop3A_429, %parallel_loop3A_444 : vector<32xbf16>
        %parallel_loop3A_446 = tpu.pack_subelements %parallel_loop3A_388, %parallel_loop3A_388 {pack_format = #tpu.pack_format<interleaved>, positions = array<i32: 0, 1>} : vector<16xf32>, vector<16xf32> -> vector<32xbf16>
        %parallel_loop3A_447 = arith.constant 1088 : i32
        %parallel_loop3A_448 = vector.broadcast %parallel_loop3A_447 : i32 to vector<16xi32>
        %parallel_loop3A_449 = arith.addi %parallel_loop3A_383, %parallel_loop3A_448 : vector<16xi32>
        %parallel_loop3A_450 = tpu.vector_load_idx %arg6[%parallel_loop3A_449] : memref<34848xi32, #tpu.memory_space<vmem>>[vector<16xi32>], vector<16xi32>,
        %parallel_loop3A_451 = vector.bitcast %parallel_loop3A_450 : vector<16xi32> to vector<32xbf16>
        %parallel_loop3A_452 = arith.mulf %parallel_loop3A_446, %parallel_loop3A_451 : vector<32xbf16>
        %parallel_loop3A_453 = arith.addf %parallel_loop3A_437, %parallel_loop3A_452 : vector<32xbf16>
        %parallel_loop3A_454 = tpu.vector_load_idx %arg7[%parallel_loop3A_449] : memref<34848xi32, #tpu.memory_space<vmem>>[vector<16xi32>], vector<16xi32>,
        %parallel_loop3A_455 = vector.bitcast %parallel_loop3A_454 : vector<16xi32> to vector<32xbf16>
        %parallel_loop3A_456 = arith.mulf %parallel_loop3A_446, %parallel_loop3A_455 : vector<32xbf16>
        %parallel_loop3A_457 = arith.addf %parallel_loop3A_441, %parallel_loop3A_456 : vector<32xbf16>
        %parallel_loop3A_458 = tpu.vector_load_idx %arg8[%parallel_loop3A_449] : memref<34848xi32, #tpu.memory_space<vmem>>[vector<16xi32>], vector<16xi32>,
        %parallel_loop3A_459 = vector.bitcast %parallel_loop3A_458 : vector<16xi32> to vector<32xbf16>
        %parallel_loop3A_460 = arith.mulf %parallel_loop3A_446, %parallel_loop3A_459 : vector<32xbf16>
        %parallel_loop3A_461 = arith.addf %parallel_loop3A_445, %parallel_loop3A_460 : vector<32xbf16>
        %parallel_loop3A_462 = arith.mulf %parallel_loop3A_453, %parallel_loop3A_387 : vector<32xbf16>
        %parallel_loop3A_463 = tpu.unpack_subelements %parallel_loop3A_462, 0 {pack_format = #tpu.pack_format<interleaved>} : vector<32xbf16> -> vector<16xf32>
        %parallel_loop3A_464 = tpu.unpack_subelements %parallel_loop3A_462, 1 {pack_format = #tpu.pack_format<interleaved>} : vector<32xbf16> -> vector<16xf32>
        %parallel_loop3A_465 = arith.mulf %parallel_loop3A_457, %parallel_loop3A_387 : vector<32xbf16>
        %parallel_loop3A_466 = tpu.unpack_subelements %parallel_loop3A_465, 0 {pack_format = #tpu.pack_format<interleaved>} : vector<32xbf16> -> vector<16xf32>
        %parallel_loop3A_467 = tpu.unpack_subelements %parallel_loop3A_465, 1 {pack_format = #tpu.pack_format<interleaved>} : vector<32xbf16> -> vector<16xf32>
        %parallel_loop3A_468 = arith.mulf %parallel_loop3A_461, %parallel_loop3A_387 : vector<32xbf16>
        %parallel_loop3A_469 = tpu.unpack_subelements %parallel_loop3A_468, 0 {pack_format = #tpu.pack_format<interleaved>} : vector<32xbf16> -> vector<16xf32>
        %parallel_loop3A_470 = tpu.unpack_subelements %parallel_loop3A_468, 1 {pack_format = #tpu.pack_format<interleaved>} : vector<32xbf16> -> vector<16xf32>
        %parallel_loop3A_471 = arith.addf %parallel_loop3A_463, %parallel_loop3A_464 : vector<16xf32>
        %parallel_loop3A_472 = arith.index_cast %parallel_loop3A_347 : i32 to index
        %parallel_loop3A_473 = arith.index_cast %parallel_loop3A_351 : i32 to index
        %parallel_loop3A_474 = tpu.vector_load %arg15[%parallel_loop3A_472, %parallel_loop3A_473] {strides = array<i32>} : memref<8x256xf32, #tpu.memory_space<vmem>>, vector<16xf32>,
        tpu.vector_store %arg15[%parallel_loop3A_472, %parallel_loop3A_473], %parallel_loop3A_471 {strides = array<i32>} : memref<8x256xf32, #tpu.memory_space<vmem>>, vector<16xf32>,
        %parallel_loop3A_475 = arith.addf %parallel_loop3A_466, %parallel_loop3A_467 : vector<16xf32>
        %parallel_loop3A_476 = arith.index_cast %parallel_loop3A_347 : i32 to index
        %parallel_loop3A_477 = arith.index_cast %parallel_loop3A_351 : i32 to index
        %parallel_loop3A_478 = tpu.vector_load %arg16[%parallel_loop3A_476, %parallel_loop3A_477] {strides = array<i32>} : memref<8x256xf32, #tpu.memory_space<vmem>>, vector<16xf32>,
        tpu.vector_store %arg16[%parallel_loop3A_476, %parallel_loop3A_477], %parallel_loop3A_475 {strides = array<i32>} : memref<8x256xf32, #tpu.memory_space<vmem>>, vector<16xf32>,
        %parallel_loop3A_479 = arith.addf %parallel_loop3A_469, %parallel_loop3A_470 : vector<16xf32>
        %parallel_loop3A_480 = arith.index_cast %parallel_loop3A_347 : i32 to index
        %parallel_loop3A_481 = arith.index_cast %parallel_loop3A_351 : i32 to index
        %parallel_loop3A_482 = tpu.vector_load %arg17[%parallel_loop3A_480, %parallel_loop3A_481] {strides = array<i32>} : memref<8x256xf32, #tpu.memory_space<vmem>>, vector<16xf32>,
        tpu.vector_store %arg17[%parallel_loop3A_480, %parallel_loop3A_481], %parallel_loop3A_479 {strides = array<i32>} : memref<8x256xf32, #tpu.memory_space<vmem>>, vector<16xf32>,
      } {sc.loop_unroll_factor = 2 : i64, sc.parallel_access}
      %shift_right_logical3A_202 = arith.constant 2 : i32
      %shift_right_logical3A_203 = arith.shrui %add3A_131, %shift_right_logical3A_202 : i32
      %and3A_204 = arith.constant 3 : i32
      %and3A_205 = arith.andi %add3A_131, %and3A_204 : i32
      %mul3A_206 = arith.constant 4 : i32
      %mul3A_207 = arith.muli %add3A, %mul3A_206 : i32
      %add3A_208 = arith.addi %mul3A_207, %and3A_205 : i32
      %shift_right_logical3A_209 = arith.constant 1 : i32
      %shift_right_logical3A_210 = arith.shrui %add3A_208, %shift_right_logical3A_209 : i32
      %shift_left3A_211 = arith.constant 3 : i32
      %shift_left3A_212 = arith.shli %shift_right_logical3A_210, %shift_left3A_211 : i32
      %multiple_of3A_213 = tpu.assume_multiple %shift_left3A_212, 8 : i32
      %and3A_214 = arith.constant 1 : i32
      %and3A_215 = arith.andi %add3A_208, %and3A_214 : i32
      %shift_left3A_216 = arith.constant 8 : i32
      %shift_left3A_217 = arith.shli %and3A_215, %shift_left3A_216 : i32
      %multiple_of3A_218 = tpu.assume_multiple %shift_left3A_217, 256 : i32
      %dma_start3A_219 = arith.constant 0 : i32
      %dma_start3A_220 = tpu.memref_slice %arg5[%shift_right_logical3A_203, %dma_start3A_219, %multiple_of3A_213, %multiple_of3A_218] : memref<16x3x512x512xf32, #tpu.memory_space<hbm>> -> memref<1x1x8x256xf32, #tpu.memory_space<hbm>>
      %dma_start3A_221 = tpu.memref_squeeze %dma_start3A_220 : memref<1x1x8x256xf32, #tpu.memory_space<hbm>> -> memref<8x256xf32, #tpu.memory_space<hbm>>
      %dma_start3A_222 = tpu.memref_slice %arg5[%shift_right_logical3A_203, %dma_start3A_219, %multiple_of3A_213, %multiple_of3A_218] : memref<16x3x512x512xf32, #tpu.memory_space<hbm>> -> memref<1x1x8x256xf32, #tpu.memory_space<hbm>>
      %dma_start3A_223 = tpu.memref_squeeze %dma_start3A_222 : memref<1x1x8x256xf32, #tpu.memory_space<hbm>> -> memref<8x256xf32, #tpu.memory_space<hbm>>
      tpu.enqueue_dma source(%arg15 : memref<8x256xf32, #tpu.memory_space<vmem>>) target(%dma_start3A_223 : memref<8x256xf32, #tpu.memory_space<hbm>>) target_semaphore(%arg23 : memref<!tpu.dma_semaphore, #tpu.memory_space<semaphore_mem>>)
      %dma_start3A_224 = arith.constant 1 : i32
      %dma_start3A_225 = tpu.memref_slice %arg5[%shift_right_logical3A_203, %dma_start3A_224, %multiple_of3A_213, %multiple_of3A_218] : memref<16x3x512x512xf32, #tpu.memory_space<hbm>> -> memref<1x1x8x256xf32, #tpu.memory_space<hbm>>
      %dma_start3A_226 = tpu.memref_squeeze %dma_start3A_225 : memref<1x1x8x256xf32, #tpu.memory_space<hbm>> -> memref<8x256xf32, #tpu.memory_space<hbm>>
      %dma_start3A_227 = tpu.memref_slice %arg5[%shift_right_logical3A_203, %dma_start3A_224, %multiple_of3A_213, %multiple_of3A_218] : memref<16x3x512x512xf32, #tpu.memory_space<hbm>> -> memref<1x1x8x256xf32, #tpu.memory_space<hbm>>
      %dma_start3A_228 = tpu.memref_squeeze %dma_start3A_227 : memref<1x1x8x256xf32, #tpu.memory_space<hbm>> -> memref<8x256xf32, #tpu.memory_space<hbm>>
      tpu.enqueue_dma source(%arg16 : memref<8x256xf32, #tpu.memory_space<vmem>>) target(%dma_start3A_228 : memref<8x256xf32, #tpu.memory_space<hbm>>) target_semaphore(%arg23 : memref<!tpu.dma_semaphore, #tpu.memory_space<semaphore_mem>>)
      %dma_start3A_229 = arith.constant 2 : i32
      %dma_start3A_230 = tpu.memref_slice %arg5[%shift_right_logical3A_203, %dma_start3A_229, %multiple_of3A_213, %multiple_of3A_218] : memref<16x3x512x512xf32, #tpu.memory_space<hbm>> -> memref<1x1x8x256xf32, #tpu.memory_space<hbm>>
      %dma_start3A_231 = tpu.memref_squeeze %dma_start3A_230 : memref<1x1x8x256xf32, #tpu.memory_space<hbm>> -> memref<8x256xf32, #tpu.memory_space<hbm>>
      %dma_start3A_232 = tpu.memref_slice %arg5[%shift_right_logical3A_203, %dma_start3A_229, %multiple_of3A_213, %multiple_of3A_218] : memref<16x3x512x512xf32, #tpu.memory_space<hbm>> -> memref<1x1x8x256xf32, #tpu.memory_space<hbm>>
      %dma_start3A_233 = tpu.memref_squeeze %dma_start3A_232 : memref<1x1x8x256xf32, #tpu.memory_space<hbm>> -> memref<8x256xf32, #tpu.memory_space<hbm>>
      tpu.enqueue_dma source(%arg17 : memref<8x256xf32, #tpu.memory_space<vmem>>) target(%dma_start3A_233 : memref<8x256xf32, #tpu.memory_space<hbm>>) target_semaphore(%arg23 : memref<!tpu.dma_semaphore, #tpu.memory_space<semaphore_mem>>)
      %mul3A_234 = arith.constant 2 : i32
      %mul3A_235 = arith.muli %mul3A_234, %scan3A_126 : i32
      %add3A_236 = arith.constant 1 : i32
      %add3A_237 = arith.addi %mul3A_235, %add3A_236 : i32
      %add3A_238 = arith.constant 1 : i32
      %add3A_239 = arith.addi %add3A_237, %add3A_238 : i32
      %min3A_240 = arith.constant 63 : i32
      %min3A_241 = arith.minsi %add3A_239, %min3A_240 : i32
      %shift_right_logical3A_242 = arith.constant 2 : i32
      %shift_right_logical3A_243 = arith.shrui %min3A_241, %shift_right_logical3A_242 : i32
      %and3A_244 = arith.constant 3 : i32
      %and3A_245 = arith.andi %min3A_241, %and3A_244 : i32
      %mul3A_246 = arith.constant 4 : i32
      %mul3A_247 = arith.muli %add3A, %mul3A_246 : i32
      %add3A_248 = arith.addi %mul3A_247, %and3A_245 : i32
      %shift_right_logical3A_249 = arith.constant 1 : i32
      %shift_right_logical3A_250 = arith.shrui %add3A_248, %shift_right_logical3A_249 : i32
      %shift_left3A_251 = arith.constant 3 : i32
      %shift_left3A_252 = arith.shli %shift_right_logical3A_250, %shift_left3A_251 : i32
      %multiple_of3A_253 = tpu.assume_multiple %shift_left3A_252, 8 : i32
      %and3A_254 = arith.constant 1 : i32
      %and3A_255 = arith.andi %add3A_248, %and3A_254 : i32
      %shift_left3A_256 = arith.constant 8 : i32
      %shift_left3A_257 = arith.shli %and3A_255, %shift_left3A_256 : i32
      %multiple_of3A_258 = tpu.assume_multiple %shift_left3A_257, 256 : i32
      %dma_start3A_259 = arith.constant 0 : i32
      %dma_start3A_260 = tpu.memref_slice %arg3[%shift_right_logical3A_243, %dma_start3A_259, %multiple_of3A_253, %multiple_of3A_258] : memref<16x3x512x512xf32, #tpu.memory_space<hbm>> -> memref<1x1x8x256xf32, #tpu.memory_space<hbm>>
      %dma_start3A_261 = tpu.memref_squeeze %dma_start3A_260 : memref<1x1x8x256xf32, #tpu.memory_space<hbm>> -> memref<8x256xf32, #tpu.memory_space<hbm>>
      %dma_start3A_262 = tpu.memref_slice %arg3[%shift_right_logical3A_243, %dma_start3A_259, %multiple_of3A_253, %multiple_of3A_258] : memref<16x3x512x512xf32, #tpu.memory_space<hbm>> -> memref<1x1x8x256xf32, #tpu.memory_space<hbm>>
      %dma_start3A_263 = tpu.memref_squeeze %dma_start3A_262 : memref<1x1x8x256xf32, #tpu.memory_space<hbm>> -> memref<8x256xf32, #tpu.memory_space<hbm>>
      tpu.enqueue_dma source(%dma_start3A_263 : memref<8x256xf32, #tpu.memory_space<hbm>>) target(%arg9 : memref<8x256xf32, #tpu.memory_space<vmem>>) target_semaphore(%arg21 : memref<!tpu.dma_semaphore, #tpu.memory_space<semaphore_mem>>)
      %dma_start3A_264 = arith.constant 1 : i32
      %dma_start3A_265 = tpu.memref_slice %arg3[%shift_right_logical3A_243, %dma_start3A_264, %multiple_of3A_253, %multiple_of3A_258] : memref<16x3x512x512xf32, #tpu.memory_space<hbm>> -> memref<1x1x8x256xf32, #tpu.memory_space<hbm>>
      %dma_start3A_266 = tpu.memref_squeeze %dma_start3A_265 : memref<1x1x8x256xf32, #tpu.memory_space<hbm>> -> memref<8x256xf32, #tpu.memory_space<hbm>>
      %dma_start3A_267 = tpu.memref_slice %arg3[%shift_right_logical3A_243, %dma_start3A_264, %multiple_of3A_253, %multiple_of3A_258] : memref<16x3x512x512xf32, #tpu.memory_space<hbm>> -> memref<1x1x8x256xf32, #tpu.memory_space<hbm>>
      %dma_start3A_268 = tpu.memref_squeeze %dma_start3A_267 : memref<1x1x8x256xf32, #tpu.memory_space<hbm>> -> memref<8x256xf32, #tpu.memory_space<hbm>>
      tpu.enqueue_dma source(%dma_start3A_268 : memref<8x256xf32, #tpu.memory_space<hbm>>) target(%arg10 : memref<8x256xf32, #tpu.memory_space<vmem>>) target_semaphore(%arg21 : memref<!tpu.dma_semaphore, #tpu.memory_space<semaphore_mem>>)
      %dma_start3A_269 = arith.constant 2 : i32
      %dma_start3A_270 = tpu.memref_slice %arg3[%shift_right_logical3A_243, %dma_start3A_269, %multiple_of3A_253, %multiple_of3A_258] : memref<16x3x512x512xf32, #tpu.memory_space<hbm>> -> memref<1x1x8x256xf32, #tpu.memory_space<hbm>>
      %dma_start3A_271 = tpu.memref_squeeze %dma_start3A_270 : memref<1x1x8x256xf32, #tpu.memory_space<hbm>> -> memref<8x256xf32, #tpu.memory_space<hbm>>
      %dma_start3A_272 = tpu.memref_slice %arg3[%shift_right_logical3A_243, %dma_start3A_269, %multiple_of3A_253, %multiple_of3A_258] : memref<16x3x512x512xf32, #tpu.memory_space<hbm>> -> memref<1x1x8x256xf32, #tpu.memory_space<hbm>>
      %dma_start3A_273 = tpu.memref_squeeze %dma_start3A_272 : memref<1x1x8x256xf32, #tpu.memory_space<hbm>> -> memref<8x256xf32, #tpu.memory_space<hbm>>
      tpu.enqueue_dma source(%dma_start3A_273 : memref<8x256xf32, #tpu.memory_space<hbm>>) target(%arg11 : memref<8x256xf32, #tpu.memory_space<vmem>>) target_semaphore(%arg21 : memref<!tpu.dma_semaphore, #tpu.memory_space<semaphore_mem>>)
      %dma_wait3A_274 = arith.constant 0 : i32
      %dma_wait3A_275 = arith.constant 0 : i32
      %dma_wait3A_276 = arith.constant 0 : i32
      %dma_wait3A_277 = arith.constant 0 : i32
      %dma_wait3A_278 = tpu.memref_slice %arg3[%dma_wait3A_274, %dma_wait3A_275, %dma_wait3A_276, %dma_wait3A_277] : memref<16x3x512x512xf32, #tpu.memory_space<hbm>> -> memref<1x1x8x256xf32, #tpu.memory_space<hbm>>
      %dma_wait3A_279 = tpu.memref_squeeze %dma_wait3A_278 : memref<1x1x8x256xf32, #tpu.memory_space<hbm>> -> memref<8x256xf32, #tpu.memory_space<hbm>>
      %dma_wait3A_280 = arith.constant 0 : i32
      %dma_wait3A_281 = arith.constant 0 : i32
      %dma_wait3A_282 = tpu.memref_slice %arg3[%dma_wait3A_274, %dma_wait3A_275, %dma_wait3A_280, %dma_wait3A_281] : memref<16x3x512x512xf32, #tpu.memory_space<hbm>> -> memref<1x1x8x256xf32, #tpu.memory_space<hbm>>
      %dma_wait3A_283 = tpu.memref_squeeze %dma_wait3A_282 : memref<1x1x8x256xf32, #tpu.memory_space<hbm>> -> memref<8x256xf32, #tpu.memory_space<hbm>>
      tpu.wait_dma2 semaphore(%arg22 : memref<!tpu.dma_semaphore, #tpu.memory_space<semaphore_mem>>) src(%dma_wait3A_283 : memref<8x256xf32, #tpu.memory_space<hbm>>) dst(%arg12 : memref<8x256xf32, #tpu.memory_space<vmem>>)
      %dma_wait3A_284 = arith.constant 0 : i32
      %dma_wait3A_285 = arith.constant 0 : i32
      %dma_wait3A_286 = arith.constant 0 : i32
      %dma_wait3A_287 = arith.constant 0 : i32
      %dma_wait3A_288 = tpu.memref_slice %arg3[%dma_wait3A_284, %dma_wait3A_285, %dma_wait3A_286, %dma_wait3A_287] : memref<16x3x512x512xf32, #tpu.memory_space<hbm>> -> memref<1x1x8x256xf32, #tpu.memory_space<hbm>>
      %dma_wait3A_289 = tpu.memref_squeeze %dma_wait3A_288 : memref<1x1x8x256xf32, #tpu.memory_space<hbm>> -> memref<8x256xf32, #tpu.memory_space<hbm>>
      %dma_wait3A_290 = arith.constant 0 : i32
      %dma_wait3A_291 = arith.constant 0 : i32
      %dma_wait3A_292 = tpu.memref_slice %arg3[%dma_wait3A_284, %dma_wait3A_285, %dma_wait3A_290, %dma_wait3A_291] : memref<16x3x512x512xf32, #tpu.memory_space<hbm>> -> memref<1x1x8x256xf32, #tpu.memory_space<hbm>>
      %dma_wait3A_293 = tpu.memref_squeeze %dma_wait3A_292 : memref<1x1x8x256xf32, #tpu.memory_space<hbm>> -> memref<8x256xf32, #tpu.memory_space<hbm>>
      tpu.wait_dma2 semaphore(%arg22 : memref<!tpu.dma_semaphore, #tpu.memory_space<semaphore_mem>>) src(%dma_wait3A_293 : memref<8x256xf32, #tpu.memory_space<hbm>>) dst(%arg13 : memref<8x256xf32, #tpu.memory_space<vmem>>)
      %dma_wait3A_294 = arith.constant 0 : i32
      %dma_wait3A_295 = arith.constant 0 : i32
      %dma_wait3A_296 = arith.constant 0 : i32
      %dma_wait3A_297 = arith.constant 0 : i32
      %dma_wait3A_298 = tpu.memref_slice %arg3[%dma_wait3A_294, %dma_wait3A_295, %dma_wait3A_296, %dma_wait3A_297] : memref<16x3x512x512xf32, #tpu.memory_space<hbm>> -> memref<1x1x8x256xf32, #tpu.memory_space<hbm>>
      %dma_wait3A_299 = tpu.memref_squeeze %dma_wait3A_298 : memref<1x1x8x256xf32, #tpu.memory_space<hbm>> -> memref<8x256xf32, #tpu.memory_space<hbm>>
      %dma_wait3A_300 = arith.constant 0 : i32
      %dma_wait3A_301 = arith.constant 0 : i32
      %dma_wait3A_302 = tpu.memref_slice %arg3[%dma_wait3A_294, %dma_wait3A_295, %dma_wait3A_300, %dma_wait3A_301] : memref<16x3x512x512xf32, #tpu.memory_space<hbm>> -> memref<1x1x8x256xf32, #tpu.memory_space<hbm>>
      %dma_wait3A_303 = tpu.memref_squeeze %dma_wait3A_302 : memref<1x1x8x256xf32, #tpu.memory_space<hbm>> -> memref<8x256xf32, #tpu.memory_space<hbm>>
      tpu.wait_dma2 semaphore(%arg22 : memref<!tpu.dma_semaphore, #tpu.memory_space<semaphore_mem>>) src(%dma_wait3A_303 : memref<8x256xf32, #tpu.memory_space<hbm>>) dst(%arg14 : memref<8x256xf32, #tpu.memory_space<vmem>>)
      %ge3A_304 = arith.constant 1 : i32
      %ge3A_305 = arith.cmpi sge, %scan3A_126, %ge3A_304 : i32
      %convert_element_type3A_306 = arith.extui %ge3A_305 : i1 to i32
      %cond3A_307 = arith.constant 0 : i32
      %cond3A_308 = arith.cmpi ne, %convert_element_type3A_306, %cond3A_307 : i32
      scf.if %cond3A_308 {
        %dma_wait3A_345 = arith.constant 0 : i32
        %dma_wait3A_346 = arith.constant 0 : i32
        %dma_wait3A_347 = arith.constant 0 : i32
        %dma_wait3A_348 = arith.constant 0 : i32
        %dma_wait3A_349 = tpu.memref_slice %arg5[%dma_wait3A_345, %dma_wait3A_346, %dma_wait3A_347, %dma_wait3A_348] : memref<16x3x512x512xf32, #tpu.memory_space<hbm>> -> memref<1x1x8x256xf32, #tpu.memory_space<hbm>>
        %dma_wait3A_350 = tpu.memref_squeeze %dma_wait3A_349 : memref<1x1x8x256xf32, #tpu.memory_space<hbm>> -> memref<8x256xf32, #tpu.memory_space<hbm>>
        %dma_wait3A_351 = arith.constant 0 : i32
        %dma_wait3A_352 = arith.constant 0 : i32
        %dma_wait3A_353 = tpu.memref_slice %arg5[%dma_wait3A_345, %dma_wait3A_346, %dma_wait3A_351, %dma_wait3A_352] : memref<16x3x512x512xf32, #tpu.memory_space<hbm>> -> memref<1x1x8x256xf32, #tpu.memory_space<hbm>>
        %dma_wait3A_354 = tpu.memref_squeeze %dma_wait3A_353 : memref<1x1x8x256xf32, #tpu.memory_space<hbm>> -> memref<8x256xf32, #tpu.memory_space<hbm>>
        tpu.wait_dma2 semaphore(%arg24 : memref<!tpu.dma_semaphore, #tpu.memory_space<semaphore_mem>>) src(%arg18 : memref<8x256xf32, #tpu.memory_space<vmem>>) dst(%dma_wait3A_354 : memref<8x256xf32, #tpu.memory_space<hbm>>)
        %dma_wait3A_355 = arith.constant 0 : i32
        %dma_wait3A_356 = arith.constant 0 : i32
        %dma_wait3A_357 = arith.constant 0 : i32
        %dma_wait3A_358 = arith.constant 0 : i32
        %dma_wait3A_359 = tpu.memref_slice %arg5[%dma_wait3A_355, %dma_wait3A_356, %dma_wait3A_357, %dma_wait3A_358] : memref<16x3x512x512xf32, #tpu.memory_space<hbm>> -> memref<1x1x8x256xf32, #tpu.memory_space<hbm>>
        %dma_wait3A_360 = tpu.memref_squeeze %dma_wait3A_359 : memref<1x1x8x256xf32, #tpu.memory_space<hbm>> -> memref<8x256xf32, #tpu.memory_space<hbm>>
        %dma_wait3A_361 = arith.constant 0 : i32
        %dma_wait3A_362 = arith.constant 0 : i32
        %dma_wait3A_363 = tpu.memref_slice %arg5[%dma_wait3A_355, %dma_wait3A_356, %dma_wait3A_361, %dma_wait3A_362] : memref<16x3x512x512xf32, #tpu.memory_space<hbm>> -> memref<1x1x8x256xf32, #tpu.memory_space<hbm>>
        %dma_wait3A_364 = tpu.memref_squeeze %dma_wait3A_363 : memref<1x1x8x256xf32, #tpu.memory_space<hbm>> -> memref<8x256xf32, #tpu.memory_space<hbm>>
        tpu.wait_dma2 semaphore(%arg24 : memref<!tpu.dma_semaphore, #tpu.memory_space<semaphore_mem>>) src(%arg19 : memref<8x256xf32, #tpu.memory_space<vmem>>) dst(%dma_wait3A_364 : memref<8x256xf32, #tpu.memory_space<hbm>>)
        %dma_wait3A_365 = arith.constant 0 : i32
        %dma_wait3A_366 = arith.constant 0 : i32
        %dma_wait3A_367 = arith.constant 0 : i32
        %dma_wait3A_368 = arith.constant 0 : i32
        %dma_wait3A_369 = tpu.memref_slice %arg5[%dma_wait3A_365, %dma_wait3A_366, %dma_wait3A_367, %dma_wait3A_368] : memref<16x3x512x512xf32, #tpu.memory_space<hbm>> -> memref<1x1x8x256xf32, #tpu.memory_space<hbm>>
        %dma_wait3A_370 = tpu.memref_squeeze %dma_wait3A_369 : memref<1x1x8x256xf32, #tpu.memory_space<hbm>> -> memref<8x256xf32, #tpu.memory_space<hbm>>
        %dma_wait3A_371 = arith.constant 0 : i32
        %dma_wait3A_372 = arith.constant 0 : i32
        %dma_wait3A_373 = tpu.memref_slice %arg5[%dma_wait3A_365, %dma_wait3A_366, %dma_wait3A_371, %dma_wait3A_372] : memref<16x3x512x512xf32, #tpu.memory_space<hbm>> -> memref<1x1x8x256xf32, #tpu.memory_space<hbm>>
        %dma_wait3A_374 = tpu.memref_squeeze %dma_wait3A_373 : memref<1x1x8x256xf32, #tpu.memory_space<hbm>> -> memref<8x256xf32, #tpu.memory_space<hbm>>
        tpu.wait_dma2 semaphore(%arg24 : memref<!tpu.dma_semaphore, #tpu.memory_space<semaphore_mem>>) src(%arg20 : memref<8x256xf32, #tpu.memory_space<vmem>>) dst(%dma_wait3A_374 : memref<8x256xf32, #tpu.memory_space<hbm>>)
      } else {
      }
      %parallel_loop3A_309 = arith.constant 0 : i32
      %parallel_loop3A_310 = arith.constant 128 : i32
      %parallel_loop3A_311 = arith.constant 1 : i32
      scf.for %parallel_loop3A_345 = %parallel_loop3A_309 to %parallel_loop3A_310 step %parallel_loop3A_311  : i32 {
        %parallel_loop3A_346 = arith.constant 4 : i32
        %parallel_loop3A_347 = arith.shrui %parallel_loop3A_345, %parallel_loop3A_346 : i32
        %parallel_loop3A_348 = arith.constant 15 : i32
        %parallel_loop3A_349 = arith.andi %parallel_loop3A_345, %parallel_loop3A_348 : i32
        %parallel_loop3A_350 = arith.constant 4 : i32
        %parallel_loop3A_351 = arith.shli %parallel_loop3A_349, %parallel_loop3A_350 : i32
        %parallel_loop3A_352 = arith.index_cast %parallel_loop3A_347 : i32 to index
        %parallel_loop3A_353 = arith.index_cast %parallel_loop3A_351 : i32 to index
        %parallel_loop3A_354 = tpu.vector_load %arg12[%parallel_loop3A_352, %parallel_loop3A_353] {strides = array<i32>} : memref<8x256xf32, #tpu.memory_space<vmem>>, vector<16xf32>,
        %parallel_loop3A_355 = vector.broadcast %squeeze3A : f32 to vector<16xf32>
        %parallel_loop3A_356 = arith.mulf %parallel_loop3A_354, %parallel_loop3A_355 : vector<16xf32>
        %parallel_loop3A_357 = arith.index_cast %parallel_loop3A_347 : i32 to index
        %parallel_loop3A_358 = arith.index_cast %parallel_loop3A_351 : i32 to index
        %parallel_loop3A_359 = tpu.vector_load %arg13[%parallel_loop3A_357, %parallel_loop3A_358] {strides = array<i32>} : memref<8x256xf32, #tpu.memory_space<vmem>>, vector<16xf32>,
        %parallel_loop3A_360 = vector.broadcast %squeeze3A : f32 to vector<16xf32>
        %parallel_loop3A_361 = arith.mulf %parallel_loop3A_359, %parallel_loop3A_360 : vector<16xf32>
        %parallel_loop3A_362 = arith.index_cast %parallel_loop3A_347 : i32 to index
        %parallel_loop3A_363 = arith.index_cast %parallel_loop3A_351 : i32 to index
        %parallel_loop3A_364 = tpu.vector_load %arg14[%parallel_loop3A_362, %parallel_loop3A_363] {strides = array<i32>} : memref<8x256xf32, #tpu.memory_space<vmem>>, vector<16xf32>,
        %parallel_loop3A_365 = vector.broadcast %squeeze3A : f32 to vector<16xf32>
        %parallel_loop3A_366 = arith.mulf %parallel_loop3A_364, %parallel_loop3A_365 : vector<16xf32>
        %parallel_loop3A_367 = arith.fptosi %parallel_loop3A_356 : vector<16xf32> to vector<16xi32>
        %parallel_loop3A_368 = arith.fptosi %parallel_loop3A_361 : vector<16xf32> to vector<16xi32>
        %parallel_loop3A_369 = arith.fptosi %parallel_loop3A_366 : vector<16xf32> to vector<16xi32>
        %parallel_loop3A_370 = arith.sitofp %parallel_loop3A_367 : vector<16xi32> to vector<16xf32>
        %parallel_loop3A_371 = arith.subf %parallel_loop3A_356, %parallel_loop3A_370 : vector<16xf32>
        %parallel_loop3A_372 = arith.sitofp %parallel_loop3A_368 : vector<16xi32> to vector<16xf32>
        %parallel_loop3A_373 = arith.subf %parallel_loop3A_361, %parallel_loop3A_372 : vector<16xf32>
        %parallel_loop3A_374 = arith.sitofp %parallel_loop3A_369 : vector<16xi32> to vector<16xf32>
        %parallel_loop3A_375 = arith.subf %parallel_loop3A_366, %parallel_loop3A_374 : vector<16xf32>
        %parallel_loop3A_376 = arith.constant 1056 : i32
        %parallel_loop3A_377 = vector.broadcast %parallel_loop3A_376 : i32 to vector<16xi32>
        %parallel_loop3A_378 = arith.muli %parallel_loop3A_369, %parallel_loop3A_377 : vector<16xi32>
        %parallel_loop3A_379 = arith.constant 32 : i32
        %parallel_loop3A_380 = vector.broadcast %parallel_loop3A_379 : i32 to vector<16xi32>
        %parallel_loop3A_381 = arith.muli %parallel_loop3A_368, %parallel_loop3A_380 : vector<16xi32>
        %parallel_loop3A_382 = arith.addi %parallel_loop3A_378, %parallel_loop3A_381 : vector<16xi32>
        %parallel_loop3A_383 = arith.addi %parallel_loop3A_382, %parallel_loop3A_367 : vector<16xi32>
        %parallel_loop3A_384 = arith.constant 1.000000e+00 : f32
        %parallel_loop3A_385 = vector.broadcast %parallel_loop3A_384 : f32 to vector<16xf32>
        %parallel_loop3A_386 = arith.subf %parallel_loop3A_385, %parallel_loop3A_371 : vector<16xf32>
        %parallel_loop3A_387 = tpu.pack_subelements %parallel_loop3A_386, %parallel_loop3A_371 {pack_format = #tpu.pack_format<interleaved>, positions = array<i32: 0, 1>} : vector<16xf32>, vector<16xf32> -> vector<32xbf16>
        %parallel_loop3A_388 = arith.mulf %parallel_loop3A_373, %parallel_loop3A_375 : vector<16xf32>
        %parallel_loop3A_389 = arith.subf %parallel_loop3A_373, %parallel_loop3A_388 : vector<16xf32>
        %parallel_loop3A_390 = arith.subf %parallel_loop3A_375, %parallel_loop3A_388 : vector<16xf32>
        %parallel_loop3A_391 = arith.constant 1.000000e+00 : f32
        %parallel_loop3A_392 = vector.broadcast %parallel_loop3A_391 : f32 to vector<16xf32>
        %parallel_loop3A_393 = arith.subf %parallel_loop3A_392, %parallel_loop3A_373 : vector<16xf32>
        %parallel_loop3A_394 = arith.subf %parallel_loop3A_393, %parallel_loop3A_390 : vector<16xf32>
        %parallel_loop3A_395 = arith.constant 0.000000e+00 : bf16
        %parallel_loop3A_396 = vector.broadcast %parallel_loop3A_395 : bf16 to vector<32xbf16>
        %parallel_loop3A_397 = arith.constant 0.000000e+00 : bf16
        %parallel_loop3A_398 = vector.broadcast %parallel_loop3A_397 : bf16 to vector<32xbf16>
        %parallel_loop3A_399 = arith.constant 0.000000e+00 : bf16
        %parallel_loop3A_400 = vector.broadcast %parallel_loop3A_399 : bf16 to vector<32xbf16>
        %parallel_loop3A_401 = tpu.pack_subelements %parallel_loop3A_394, %parallel_loop3A_394 {pack_format = #tpu.pack_format<interleaved>, positions = array<i32: 0, 1>} : vector<16xf32>, vector<16xf32> -> vector<32xbf16>
        %parallel_loop3A_402 = tpu.vector_load_idx %arg6[%parallel_loop3A_383] : memref<34848xi32, #tpu.memory_space<vmem>>[vector<16xi32>], vector<16xi32>,
        %parallel_loop3A_403 = vector.bitcast %parallel_loop3A_402 : vector<16xi32> to vector<32xbf16>
        %parallel_loop3A_404 = arith.mulf %parallel_loop3A_401, %parallel_loop3A_403 : vector<32xbf16>
        %parallel_loop3A_405 = arith.addf %parallel_loop3A_396, %parallel_loop3A_404 : vector<32xbf16>
        %parallel_loop3A_406 = tpu.vector_load_idx %arg7[%parallel_loop3A_383] : memref<34848xi32, #tpu.memory_space<vmem>>[vector<16xi32>], vector<16xi32>,
        %parallel_loop3A_407 = vector.bitcast %parallel_loop3A_406 : vector<16xi32> to vector<32xbf16>
        %parallel_loop3A_408 = arith.mulf %parallel_loop3A_401, %parallel_loop3A_407 : vector<32xbf16>
        %parallel_loop3A_409 = arith.addf %parallel_loop3A_398, %parallel_loop3A_408 : vector<32xbf16>
        %parallel_loop3A_410 = tpu.vector_load_idx %arg8[%parallel_loop3A_383] : memref<34848xi32, #tpu.memory_space<vmem>>[vector<16xi32>], vector<16xi32>,
        %parallel_loop3A_411 = vector.bitcast %parallel_loop3A_410 : vector<16xi32> to vector<32xbf16>
        %parallel_loop3A_412 = arith.mulf %parallel_loop3A_401, %parallel_loop3A_411 : vector<32xbf16>
        %parallel_loop3A_413 = arith.addf %parallel_loop3A_400, %parallel_loop3A_412 : vector<32xbf16>
        %parallel_loop3A_414 = tpu.pack_subelements %parallel_loop3A_390, %parallel_loop3A_390 {pack_format = #tpu.pack_format<interleaved>, positions = array<i32: 0, 1>} : vector<16xf32>, vector<16xf32> -> vector<32xbf16>
        %parallel_loop3A_415 = arith.constant 1056 : i32
        %parallel_loop3A_416 = vector.broadcast %parallel_loop3A_415 : i32 to vector<16xi32>
        %parallel_loop3A_417 = arith.addi %parallel_loop3A_383, %parallel_loop3A_416 : vector<16xi32>
        %parallel_loop3A_418 = tpu.vector_load_idx %arg6[%parallel_loop3A_417] : memref<34848xi32, #tpu.memory_space<vmem>>[vector<16xi32>], vector<16xi32>,
        %parallel_loop3A_419 = vector.bitcast %parallel_loop3A_418 : vector<16xi32> to vector<32xbf16>
        %parallel_loop3A_420 = arith.mulf %parallel_loop3A_414, %parallel_loop3A_419 : vector<32xbf16>
        %parallel_loop3A_421 = arith.addf %parallel_loop3A_405, %parallel_loop3A_420 : vector<32xbf16>
        %parallel_loop3A_422 = tpu.vector_load_idx %arg7[%parallel_loop3A_417] : memref<34848xi32, #tpu.memory_space<vmem>>[vector<16xi32>], vector<16xi32>,
        %parallel_loop3A_423 = vector.bitcast %parallel_loop3A_422 : vector<16xi32> to vector<32xbf16>
        %parallel_loop3A_424 = arith.mulf %parallel_loop3A_414, %parallel_loop3A_423 : vector<32xbf16>
        %parallel_loop3A_425 = arith.addf %parallel_loop3A_409, %parallel_loop3A_424 : vector<32xbf16>
        %parallel_loop3A_426 = tpu.vector_load_idx %arg8[%parallel_loop3A_417] : memref<34848xi32, #tpu.memory_space<vmem>>[vector<16xi32>], vector<16xi32>,
        %parallel_loop3A_427 = vector.bitcast %parallel_loop3A_426 : vector<16xi32> to vector<32xbf16>
        %parallel_loop3A_428 = arith.mulf %parallel_loop3A_414, %parallel_loop3A_427 : vector<32xbf16>
        %parallel_loop3A_429 = arith.addf %parallel_loop3A_413, %parallel_loop3A_428 : vector<32xbf16>
        %parallel_loop3A_430 = tpu.pack_subelements %parallel_loop3A_389, %parallel_loop3A_389 {pack_format = #tpu.pack_format<interleaved>, positions = array<i32: 0, 1>} : vector<16xf32>, vector<16xf32> -> vector<32xbf16>
        %parallel_loop3A_431 = arith.constant 32 : i32
        %parallel_loop3A_432 = vector.broadcast %parallel_loop3A_431 : i32 to vector<16xi32>
        %parallel_loop3A_433 = arith.addi %parallel_loop3A_383, %parallel_loop3A_432 : vector<16xi32>
        %parallel_loop3A_434 = tpu.vector_load_idx %arg6[%parallel_loop3A_433] : memref<34848xi32, #tpu.memory_space<vmem>>[vector<16xi32>], vector<16xi32>,
        %parallel_loop3A_435 = vector.bitcast %parallel_loop3A_434 : vector<16xi32> to vector<32xbf16>
        %parallel_loop3A_436 = arith.mulf %parallel_loop3A_430, %parallel_loop3A_435 : vector<32xbf16>
        %parallel_loop3A_437 = arith.addf %parallel_loop3A_421, %parallel_loop3A_436 : vector<32xbf16>
        %parallel_loop3A_438 = tpu.vector_load_idx %arg7[%parallel_loop3A_433] : memref<34848xi32, #tpu.memory_space<vmem>>[vector<16xi32>], vector<16xi32>,
        %parallel_loop3A_439 = vector.bitcast %parallel_loop3A_438 : vector<16xi32> to vector<32xbf16>
        %parallel_loop3A_440 = arith.mulf %parallel_loop3A_430, %parallel_loop3A_439 : vector<32xbf16>
        %parallel_loop3A_441 = arith.addf %parallel_loop3A_425, %parallel_loop3A_440 : vector<32xbf16>
        %parallel_loop3A_442 = tpu.vector_load_idx %arg8[%parallel_loop3A_433] : memref<34848xi32, #tpu.memory_space<vmem>>[vector<16xi32>], vector<16xi32>,
        %parallel_loop3A_443 = vector.bitcast %parallel_loop3A_442 : vector<16xi32> to vector<32xbf16>
        %parallel_loop3A_444 = arith.mulf %parallel_loop3A_430, %parallel_loop3A_443 : vector<32xbf16>
        %parallel_loop3A_445 = arith.addf %parallel_loop3A_429, %parallel_loop3A_444 : vector<32xbf16>
        %parallel_loop3A_446 = tpu.pack_subelements %parallel_loop3A_388, %parallel_loop3A_388 {pack_format = #tpu.pack_format<interleaved>, positions = array<i32: 0, 1>} : vector<16xf32>, vector<16xf32> -> vector<32xbf16>
        %parallel_loop3A_447 = arith.constant 1088 : i32
        %parallel_loop3A_448 = vector.broadcast %parallel_loop3A_447 : i32 to vector<16xi32>
        %parallel_loop3A_449 = arith.addi %parallel_loop3A_383, %parallel_loop3A_448 : vector<16xi32>
        %parallel_loop3A_450 = tpu.vector_load_idx %arg6[%parallel_loop3A_449] : memref<34848xi32, #tpu.memory_space<vmem>>[vector<16xi32>], vector<16xi32>,
        %parallel_loop3A_451 = vector.bitcast %parallel_loop3A_450 : vector<16xi32> to vector<32xbf16>
        %parallel_loop3A_452 = arith.mulf %parallel_loop3A_446, %parallel_loop3A_451 : vector<32xbf16>
        %parallel_loop3A_453 = arith.addf %parallel_loop3A_437, %parallel_loop3A_452 : vector<32xbf16>
        %parallel_loop3A_454 = tpu.vector_load_idx %arg7[%parallel_loop3A_449] : memref<34848xi32, #tpu.memory_space<vmem>>[vector<16xi32>], vector<16xi32>,
        %parallel_loop3A_455 = vector.bitcast %parallel_loop3A_454 : vector<16xi32> to vector<32xbf16>
        %parallel_loop3A_456 = arith.mulf %parallel_loop3A_446, %parallel_loop3A_455 : vector<32xbf16>
        %parallel_loop3A_457 = arith.addf %parallel_loop3A_441, %parallel_loop3A_456 : vector<32xbf16>
        %parallel_loop3A_458 = tpu.vector_load_idx %arg8[%parallel_loop3A_449] : memref<34848xi32, #tpu.memory_space<vmem>>[vector<16xi32>], vector<16xi32>,
        %parallel_loop3A_459 = vector.bitcast %parallel_loop3A_458 : vector<16xi32> to vector<32xbf16>
        %parallel_loop3A_460 = arith.mulf %parallel_loop3A_446, %parallel_loop3A_459 : vector<32xbf16>
        %parallel_loop3A_461 = arith.addf %parallel_loop3A_445, %parallel_loop3A_460 : vector<32xbf16>
        %parallel_loop3A_462 = arith.mulf %parallel_loop3A_453, %parallel_loop3A_387 : vector<32xbf16>
        %parallel_loop3A_463 = tpu.unpack_subelements %parallel_loop3A_462, 0 {pack_format = #tpu.pack_format<interleaved>} : vector<32xbf16> -> vector<16xf32>
        %parallel_loop3A_464 = tpu.unpack_subelements %parallel_loop3A_462, 1 {pack_format = #tpu.pack_format<interleaved>} : vector<32xbf16> -> vector<16xf32>
        %parallel_loop3A_465 = arith.mulf %parallel_loop3A_457, %parallel_loop3A_387 : vector<32xbf16>
        %parallel_loop3A_466 = tpu.unpack_subelements %parallel_loop3A_465, 0 {pack_format = #tpu.pack_format<interleaved>} : vector<32xbf16> -> vector<16xf32>
        %parallel_loop3A_467 = tpu.unpack_subelements %parallel_loop3A_465, 1 {pack_format = #tpu.pack_format<interleaved>} : vector<32xbf16> -> vector<16xf32>
        %parallel_loop3A_468 = arith.mulf %parallel_loop3A_461, %parallel_loop3A_387 : vector<32xbf16>
        %parallel_loop3A_469 = tpu.unpack_subelements %parallel_loop3A_468, 0 {pack_format = #tpu.pack_format<interleaved>} : vector<32xbf16> -> vector<16xf32>
        %parallel_loop3A_470 = tpu.unpack_subelements %parallel_loop3A_468, 1 {pack_format = #tpu.pack_format<interleaved>} : vector<32xbf16> -> vector<16xf32>
        %parallel_loop3A_471 = arith.addf %parallel_loop3A_463, %parallel_loop3A_464 : vector<16xf32>
        %parallel_loop3A_472 = arith.index_cast %parallel_loop3A_347 : i32 to index
        %parallel_loop3A_473 = arith.index_cast %parallel_loop3A_351 : i32 to index
        %parallel_loop3A_474 = tpu.vector_load %arg18[%parallel_loop3A_472, %parallel_loop3A_473] {strides = array<i32>} : memref<8x256xf32, #tpu.memory_space<vmem>>, vector<16xf32>,
        tpu.vector_store %arg18[%parallel_loop3A_472, %parallel_loop3A_473], %parallel_loop3A_471 {strides = array<i32>} : memref<8x256xf32, #tpu.memory_space<vmem>>, vector<16xf32>,
        %parallel_loop3A_475 = arith.addf %parallel_loop3A_466, %parallel_loop3A_467 : vector<16xf32>
        %parallel_loop3A_476 = arith.index_cast %parallel_loop3A_347 : i32 to index
        %parallel_loop3A_477 = arith.index_cast %parallel_loop3A_351 : i32 to index
        %parallel_loop3A_478 = tpu.vector_load %arg19[%parallel_loop3A_476, %parallel_loop3A_477] {strides = array<i32>} : memref<8x256xf32, #tpu.memory_space<vmem>>, vector<16xf32>,
        tpu.vector_store %arg19[%parallel_loop3A_476, %parallel_loop3A_477], %parallel_loop3A_475 {strides = array<i32>} : memref<8x256xf32, #tpu.memory_space<vmem>>, vector<16xf32>,
        %parallel_loop3A_479 = arith.addf %parallel_loop3A_469, %parallel_loop3A_470 : vector<16xf32>
        %parallel_loop3A_480 = arith.index_cast %parallel_loop3A_347 : i32 to index
        %parallel_loop3A_481 = arith.index_cast %parallel_loop3A_351 : i32 to index
        %parallel_loop3A_482 = tpu.vector_load %arg20[%parallel_loop3A_480, %parallel_loop3A_481] {strides = array<i32>} : memref<8x256xf32, #tpu.memory_space<vmem>>, vector<16xf32>,
        tpu.vector_store %arg20[%parallel_loop3A_480, %parallel_loop3A_481], %parallel_loop3A_479 {strides = array<i32>} : memref<8x256xf32, #tpu.memory_space<vmem>>, vector<16xf32>,
      } {sc.loop_unroll_factor = 2 : i64, sc.parallel_access}
      %shift_right_logical3A_312 = arith.constant 2 : i32
      %shift_right_logical3A_313 = arith.shrui %add3A_237, %shift_right_logical3A_312 : i32
      %and3A_314 = arith.constant 3 : i32
      %and3A_315 = arith.andi %add3A_237, %and3A_314 : i32
      %mul3A_316 = arith.constant 4 : i32
      %mul3A_317 = arith.muli %add3A, %mul3A_316 : i32
      %add3A_318 = arith.addi %mul3A_317, %and3A_315 : i32
      %shift_right_logical3A_319 = arith.constant 1 : i32
      %shift_right_logical3A_320 = arith.shrui %add3A_318, %shift_right_logical3A_319 : i32
      %shift_left3A_321 = arith.constant 3 : i32
      %shift_left3A_322 = arith.shli %shift_right_logical3A_320, %shift_left3A_321 : i32
      %multiple_of3A_323 = tpu.assume_multiple %shift_left3A_322, 8 : i32
      %and3A_324 = arith.constant 1 : i32
      %and3A_325 = arith.andi %add3A_318, %and3A_324 : i32
      %shift_left3A_326 = arith.constant 8 : i32
      %shift_left3A_327 = arith.shli %and3A_325, %shift_left3A_326 : i32
      %multiple_of3A_328 = tpu.assume_multiple %shift_left3A_327, 256 : i32
      %dma_start3A_329 = arith.constant 0 : i32
      %dma_start3A_330 = tpu.memref_slice %arg5[%shift_right_logical3A_313, %dma_start3A_329, %multiple_of3A_323, %multiple_of3A_328] : memref<16x3x512x512xf32, #tpu.memory_space<hbm>> -> memref<1x1x8x256xf32, #tpu.memory_space<hbm>>
      %dma_start3A_331 = tpu.memref_squeeze %dma_start3A_330 : memref<1x1x8x256xf32, #tpu.memory_space<hbm>> -> memref<8x256xf32, #tpu.memory_space<hbm>>
      %dma_start3A_332 = tpu.memref_slice %arg5[%shift_right_logical3A_313, %dma_start3A_329, %multiple_of3A_323, %multiple_of3A_328] : memref<16x3x512x512xf32, #tpu.memory_space<hbm>> -> memref<1x1x8x256xf32, #tpu.memory_space<hbm>>
      %dma_start3A_333 = tpu.memref_squeeze %dma_start3A_332 : memref<1x1x8x256xf32, #tpu.memory_space<hbm>> -> memref<8x256xf32, #tpu.memory_space<hbm>>
      tpu.enqueue_dma source(%arg18 : memref<8x256xf32, #tpu.memory_space<vmem>>) target(%dma_start3A_333 : memref<8x256xf32, #tpu.memory_space<hbm>>) target_semaphore(%arg24 : memref<!tpu.dma_semaphore, #tpu.memory_space<semaphore_mem>>)
      %dma_start3A_334 = arith.constant 1 : i32
      %dma_start3A_335 = tpu.memref_slice %arg5[%shift_right_logical3A_313, %dma_start3A_334, %multiple_of3A_323, %multiple_of3A_328] : memref<16x3x512x512xf32, #tpu.memory_space<hbm>> -> memref<1x1x8x256xf32, #tpu.memory_space<hbm>>
      %dma_start3A_336 = tpu.memref_squeeze %dma_start3A_335 : memref<1x1x8x256xf32, #tpu.memory_space<hbm>> -> memref<8x256xf32, #tpu.memory_space<hbm>>
      %dma_start3A_337 = tpu.memref_slice %arg5[%shift_right_logical3A_313, %dma_start3A_334, %multiple_of3A_323, %multiple_of3A_328] : memref<16x3x512x512xf32, #tpu.memory_space<hbm>> -> memref<1x1x8x256xf32, #tpu.memory_space<hbm>>
      %dma_start3A_338 = tpu.memref_squeeze %dma_start3A_337 : memref<1x1x8x256xf32, #tpu.memory_space<hbm>> -> memref<8x256xf32, #tpu.memory_space<hbm>>
      tpu.enqueue_dma source(%arg19 : memref<8x256xf32, #tpu.memory_space<vmem>>) target(%dma_start3A_338 : memref<8x256xf32, #tpu.memory_space<hbm>>) target_semaphore(%arg24 : memref<!tpu.dma_semaphore, #tpu.memory_space<semaphore_mem>>)
      %dma_start3A_339 = arith.constant 2 : i32
      %dma_start3A_340 = tpu.memref_slice %arg5[%shift_right_logical3A_313, %dma_start3A_339, %multiple_of3A_323, %multiple_of3A_328] : memref<16x3x512x512xf32, #tpu.memory_space<hbm>> -> memref<1x1x8x256xf32, #tpu.memory_space<hbm>>
      %dma_start3A_341 = tpu.memref_squeeze %dma_start3A_340 : memref<1x1x8x256xf32, #tpu.memory_space<hbm>> -> memref<8x256xf32, #tpu.memory_space<hbm>>
      %dma_start3A_342 = tpu.memref_slice %arg5[%shift_right_logical3A_313, %dma_start3A_339, %multiple_of3A_323, %multiple_of3A_328] : memref<16x3x512x512xf32, #tpu.memory_space<hbm>> -> memref<1x1x8x256xf32, #tpu.memory_space<hbm>>
      %dma_start3A_343 = tpu.memref_squeeze %dma_start3A_342 : memref<1x1x8x256xf32, #tpu.memory_space<hbm>> -> memref<8x256xf32, #tpu.memory_space<hbm>>
      tpu.enqueue_dma source(%arg20 : memref<8x256xf32, #tpu.memory_space<vmem>>) target(%dma_start3A_343 : memref<8x256xf32, #tpu.memory_space<hbm>>) target_semaphore(%arg24 : memref<!tpu.dma_semaphore, #tpu.memory_space<semaphore_mem>>)
      %scan3A_344 = arith.constant 0 : i32
      scf.yield %scan3A_344 : i32
    }
    %scan3A_36 = arith.constant 32 : i32
    %dma_wait3A = arith.constant 0 : i32
    %dma_wait3A_37 = arith.constant 0 : i32
    %dma_wait3A_38 = arith.constant 0 : i32
    %dma_wait3A_39 = arith.constant 0 : i32
    %dma_wait3A_40 = tpu.memref_slice %arg5[%dma_wait3A, %dma_wait3A_37, %dma_wait3A_38, %dma_wait3A_39] : memref<16x3x512x512xf32, #tpu.memory_space<hbm>> -> memref<1x1x8x256xf32, #tpu.memory_space<hbm>>
    %dma_wait3A_41 = tpu.memref_squeeze %dma_wait3A_40 : memref<1x1x8x256xf32, #tpu.memory_space<hbm>> -> memref<8x256xf32, #tpu.memory_space<hbm>>
    %dma_wait3A_42 = arith.constant 0 : i32
    %dma_wait3A_43 = arith.constant 0 : i32
    %dma_wait3A_44 = tpu.memref_slice %arg5[%dma_wait3A, %dma_wait3A_37, %dma_wait3A_42, %dma_wait3A_43] : memref<16x3x512x512xf32, #tpu.memory_space<hbm>> -> memref<1x1x8x256xf32, #tpu.memory_space<hbm>>
    %dma_wait3A_45 = tpu.memref_squeeze %dma_wait3A_44 : memref<1x1x8x256xf32, #tpu.memory_space<hbm>> -> memref<8x256xf32, #tpu.memory_space<hbm>>
    tpu.wait_dma2 semaphore(%arg23 : memref<!tpu.dma_semaphore, #tpu.memory_space<semaphore_mem>>) src(%arg15 : memref<8x256xf32, #tpu.memory_space<vmem>>) dst(%dma_wait3A_45 : memref<8x256xf32, #tpu.memory_space<hbm>>)
    %dma_wait3A_46 = arith.constant 0 : i32
    %dma_wait3A_47 = arith.constant 0 : i32
    %dma_wait3A_48 = arith.constant 0 : i32
    %dma_wait3A_49 = arith.constant 0 : i32
    %dma_wait3A_50 = tpu.memref_slice %arg5[%dma_wait3A_46, %dma_wait3A_47, %dma_wait3A_48, %dma_wait3A_49] : memref<16x3x512x512xf32, #tpu.memory_space<hbm>> -> memref<1x1x8x256xf32, #tpu.memory_space<hbm>>
    %dma_wait3A_51 = tpu.memref_squeeze %dma_wait3A_50 : memref<1x1x8x256xf32, #tpu.memory_space<hbm>> -> memref<8x256xf32, #tpu.memory_space<hbm>>
    %dma_wait3A_52 = arith.constant 0 : i32
    %dma_wait3A_53 = arith.constant 0 : i32
    %dma_wait3A_54 = tpu.memref_slice %arg5[%dma_wait3A_46, %dma_wait3A_47, %dma_wait3A_52, %dma_wait3A_53] : memref<16x3x512x512xf32, #tpu.memory_space<hbm>> -> memref<1x1x8x256xf32, #tpu.memory_space<hbm>>
    %dma_wait3A_55 = tpu.memref_squeeze %dma_wait3A_54 : memref<1x1x8x256xf32, #tpu.memory_space<hbm>> -> memref<8x256xf32, #tpu.memory_space<hbm>>
    tpu.wait_dma2 semaphore(%arg23 : memref<!tpu.dma_semaphore, #tpu.memory_space<semaphore_mem>>) src(%arg16 : memref<8x256xf32, #tpu.memory_space<vmem>>) dst(%dma_wait3A_55 : memref<8x256xf32, #tpu.memory_space<hbm>>)
    %dma_wait3A_56 = arith.constant 0 : i32
    %dma_wait3A_57 = arith.constant 0 : i32
    %dma_wait3A_58 = arith.constant 0 : i32
    %dma_wait3A_59 = arith.constant 0 : i32
    %dma_wait3A_60 = tpu.memref_slice %arg5[%dma_wait3A_56, %dma_wait3A_57, %dma_wait3A_58, %dma_wait3A_59] : memref<16x3x512x512xf32, #tpu.memory_space<hbm>> -> memref<1x1x8x256xf32, #tpu.memory_space<hbm>>
    %dma_wait3A_61 = tpu.memref_squeeze %dma_wait3A_60 : memref<1x1x8x256xf32, #tpu.memory_space<hbm>> -> memref<8x256xf32, #tpu.memory_space<hbm>>
    %dma_wait3A_62 = arith.constant 0 : i32
    %dma_wait3A_63 = arith.constant 0 : i32
    %dma_wait3A_64 = tpu.memref_slice %arg5[%dma_wait3A_56, %dma_wait3A_57, %dma_wait3A_62, %dma_wait3A_63] : memref<16x3x512x512xf32, #tpu.memory_space<hbm>> -> memref<1x1x8x256xf32, #tpu.memory_space<hbm>>
    %dma_wait3A_65 = tpu.memref_squeeze %dma_wait3A_64 : memref<1x1x8x256xf32, #tpu.memory_space<hbm>> -> memref<8x256xf32, #tpu.memory_space<hbm>>
    tpu.wait_dma2 semaphore(%arg23 : memref<!tpu.dma_semaphore, #tpu.memory_space<semaphore_mem>>) src(%arg17 : memref<8x256xf32, #tpu.memory_space<vmem>>) dst(%dma_wait3A_65 : memref<8x256xf32, #tpu.memory_space<hbm>>)
    %dma_wait3A_66 = arith.constant 0 : i32
    %dma_wait3A_67 = arith.constant 0 : i32
    %dma_wait3A_68 = arith.constant 0 : i32
    %dma_wait3A_69 = arith.constant 0 : i32
    %dma_wait3A_70 = tpu.memref_slice %arg5[%dma_wait3A_66, %dma_wait3A_67, %dma_wait3A_68, %dma_wait3A_69] : memref<16x3x512x512xf32, #tpu.memory_space<hbm>> -> memref<1x1x8x256xf32, #tpu.memory_space<hbm>>
    %dma_wait3A_71 = tpu.memref_squeeze %dma_wait3A_70 : memref<1x1x8x256xf32, #tpu.memory_space<hbm>> -> memref<8x256xf32, #tpu.memory_space<hbm>>
    %dma_wait3A_72 = arith.constant 0 : i32
    %dma_wait3A_73 = arith.constant 0 : i32
    %dma_wait3A_74 = tpu.memref_slice %arg5[%dma_wait3A_66, %dma_wait3A_67, %dma_wait3A_72, %dma_wait3A_73] : memref<16x3x512x512xf32, #tpu.memory_space<hbm>> -> memref<1x1x8x256xf32, #tpu.memory_space<hbm>>
    %dma_wait3A_75 = tpu.memref_squeeze %dma_wait3A_74 : memref<1x1x8x256xf32, #tpu.memory_space<hbm>> -> memref<8x256xf32, #tpu.memory_space<hbm>>
    tpu.wait_dma2 semaphore(%arg24 : memref<!tpu.dma_semaphore, #tpu.memory_space<semaphore_mem>>) src(%arg18 : memref<8x256xf32, #tpu.memory_space<vmem>>) dst(%dma_wait3A_75 : memref<8x256xf32, #tpu.memory_space<hbm>>)
    %dma_wait3A_76 = arith.constant 0 : i32
    %dma_wait3A_77 = arith.constant 0 : i32
    %dma_wait3A_78 = arith.constant 0 : i32
    %dma_wait3A_79 = arith.constant 0 : i32
    %dma_wait3A_80 = tpu.memref_slice %arg5[%dma_wait3A_76, %dma_wait3A_77, %dma_wait3A_78, %dma_wait3A_79] : memref<16x3x512x512xf32, #tpu.memory_space<hbm>> -> memref<1x1x8x256xf32, #tpu.memory_space<hbm>>
    %dma_wait3A_81 = tpu.memref_squeeze %dma_wait3A_80 : memref<1x1x8x256xf32, #tpu.memory_space<hbm>> -> memref<8x256xf32, #tpu.memory_space<hbm>>
    %dma_wait3A_82 = arith.constant 0 : i32
    %dma_wait3A_83 = arith.constant 0 : i32
    %dma_wait3A_84 = tpu.memref_slice %arg5[%dma_wait3A_76, %dma_wait3A_77, %dma_wait3A_82, %dma_wait3A_83] : memref<16x3x512x512xf32, #tpu.memory_space<hbm>> -> memref<1x1x8x256xf32, #tpu.memory_space<hbm>>
    %dma_wait3A_85 = tpu.memref_squeeze %dma_wait3A_84 : memref<1x1x8x256xf32, #tpu.memory_space<hbm>> -> memref<8x256xf32, #tpu.memory_space<hbm>>
    tpu.wait_dma2 semaphore(%arg24 : memref<!tpu.dma_semaphore, #tpu.memory_space<semaphore_mem>>) src(%arg19 : memref<8x256xf32, #tpu.memory_space<vmem>>) dst(%dma_wait3A_85 : memref<8x256xf32, #tpu.memory_space<hbm>>)
    %dma_wait3A_86 = arith.constant 0 : i32
    %dma_wait3A_87 = arith.constant 0 : i32
    %dma_wait3A_88 = arith.constant 0 : i32
    %dma_wait3A_89 = arith.constant 0 : i32
    %dma_wait3A_90 = tpu.memref_slice %arg5[%dma_wait3A_86, %dma_wait3A_87, %dma_wait3A_88, %dma_wait3A_89] : memref<16x3x512x512xf32, #tpu.memory_space<hbm>> -> memref<1x1x8x256xf32, #tpu.memory_space<hbm>>
    %dma_wait3A_91 = tpu.memref_squeeze %dma_wait3A_90 : memref<1x1x8x256xf32, #tpu.memory_space<hbm>> -> memref<8x256xf32, #tpu.memory_space<hbm>>
    %dma_wait3A_92 = arith.constant 0 : i32
    %dma_wait3A_93 = arith.constant 0 : i32
    %dma_wait3A_94 = tpu.memref_slice %arg5[%dma_wait3A_86, %dma_wait3A_87, %dma_wait3A_92, %dma_wait3A_93] : memref<16x3x512x512xf32, #tpu.memory_space<hbm>> -> memref<1x1x8x256xf32, #tpu.memory_space<hbm>>
    %dma_wait3A_95 = tpu.memref_squeeze %dma_wait3A_94 : memref<1x1x8x256xf32, #tpu.memory_space<hbm>> -> memref<8x256xf32, #tpu.memory_space<hbm>>
    tpu.wait_dma2 semaphore(%arg24 : memref<!tpu.dma_semaphore, #tpu.memory_space<semaphore_mem>>) src(%arg20 : memref<8x256xf32, #tpu.memory_space<vmem>>) dst(%dma_wait3A_95 : memref<8x256xf32, #tpu.memory_space<hbm>>)
    %dma_wait3A_96 = arith.constant 0 : i32
    %dma_wait3A_97 = arith.constant 0 : i32
    %dma_wait3A_98 = arith.constant 0 : i32
    %dma_wait3A_99 = arith.constant 0 : i32
    %dma_wait3A_100 = tpu.memref_slice %arg3[%dma_wait3A_96, %dma_wait3A_97, %dma_wait3A_98, %dma_wait3A_99] : memref<16x3x512x512xf32, #tpu.memory_space<hbm>> -> memref<1x1x8x256xf32, #tpu.memory_space<hbm>>
    %dma_wait3A_101 = tpu.memref_squeeze %dma_wait3A_100 : memref<1x1x8x256xf32, #tpu.memory_space<hbm>> -> memref<8x256xf32, #tpu.memory_space<hbm>>
    %dma_wait3A_102 = arith.constant 0 : i32
    %dma_wait3A_103 = arith.constant 0 : i32
    %dma_wait3A_104 = tpu.memref_slice %arg3[%dma_wait3A_96, %dma_wait3A_97, %dma_wait3A_102, %dma_wait3A_103] : memref<16x3x512x512xf32, #tpu.memory_space<hbm>> -> memref<1x1x8x256xf32, #tpu.memory_space<hbm>>
    %dma_wait3A_105 = tpu.memref_squeeze %dma_wait3A_104 : memref<1x1x8x256xf32, #tpu.memory_space<hbm>> -> memref<8x256xf32, #tpu.memory_space<hbm>>
    tpu.wait_dma2 semaphore(%arg21 : memref<!tpu.dma_semaphore, #tpu.memory_space<semaphore_mem>>) src(%dma_wait3A_105 : memref<8x256xf32, #tpu.memory_space<hbm>>) dst(%arg9 : memref<8x256xf32, #tpu.memory_space<vmem>>)
    %dma_wait3A_106 = arith.constant 0 : i32
    %dma_wait3A_107 = arith.constant 0 : i32
    %dma_wait3A_108 = arith.constant 0 : i32
    %dma_wait3A_109 = arith.constant 0 : i32
    %dma_wait3A_110 = tpu.memref_slice %arg3[%dma_wait3A_106, %dma_wait3A_107, %dma_wait3A_108, %dma_wait3A_109] : memref<16x3x512x512xf32, #tpu.memory_space<hbm>> -> memref<1x1x8x256xf32, #tpu.memory_space<hbm>>
    %dma_wait3A_111 = tpu.memref_squeeze %dma_wait3A_110 : memref<1x1x8x256xf32, #tpu.memory_space<hbm>> -> memref<8x256xf32, #tpu.memory_space<hbm>>
    %dma_wait3A_112 = arith.constant 0 : i32
    %dma_wait3A_113 = arith.constant 0 : i32
    %dma_wait3A_114 = tpu.memref_slice %arg3[%dma_wait3A_106, %dma_wait3A_107, %dma_wait3A_112, %dma_wait3A_113] : memref<16x3x512x512xf32, #tpu.memory_space<hbm>> -> memref<1x1x8x256xf32, #tpu.memory_space<hbm>>
    %dma_wait3A_115 = tpu.memref_squeeze %dma_wait3A_114 : memref<1x1x8x256xf32, #tpu.memory_space<hbm>> -> memref<8x256xf32, #tpu.memory_space<hbm>>
    tpu.wait_dma2 semaphore(%arg21 : memref<!tpu.dma_semaphore, #tpu.memory_space<semaphore_mem>>) src(%dma_wait3A_115 : memref<8x256xf32, #tpu.memory_space<hbm>>) dst(%arg10 : memref<8x256xf32, #tpu.memory_space<vmem>>)
    %dma_wait3A_116 = arith.constant 0 : i32
    %dma_wait3A_117 = arith.constant 0 : i32
    %dma_wait3A_118 = arith.constant 0 : i32
    %dma_wait3A_119 = arith.constant 0 : i32
    %dma_wait3A_120 = tpu.memref_slice %arg3[%dma_wait3A_116, %dma_wait3A_117, %dma_wait3A_118, %dma_wait3A_119] : memref<16x3x512x512xf32, #tpu.memory_space<hbm>> -> memref<1x1x8x256xf32, #tpu.memory_space<hbm>>
    %dma_wait3A_121 = tpu.memref_squeeze %dma_wait3A_120 : memref<1x1x8x256xf32, #tpu.memory_space<hbm>> -> memref<8x256xf32, #tpu.memory_space<hbm>>
    %dma_wait3A_122 = arith.constant 0 : i32
    %dma_wait3A_123 = arith.constant 0 : i32
    %dma_wait3A_124 = tpu.memref_slice %arg3[%dma_wait3A_116, %dma_wait3A_117, %dma_wait3A_122, %dma_wait3A_123] : memref<16x3x512x512xf32, #tpu.memory_space<hbm>> -> memref<1x1x8x256xf32, #tpu.memory_space<hbm>>
    %dma_wait3A_125 = tpu.memref_squeeze %dma_wait3A_124 : memref<1x1x8x256xf32, #tpu.memory_space<hbm>> -> memref<8x256xf32, #tpu.memory_space<hbm>>
    tpu.wait_dma2 semaphore(%arg21 : memref<!tpu.dma_semaphore, #tpu.memory_space<semaphore_mem>>) src(%dma_wait3A_125 : memref<8x256xf32, #tpu.memory_space<hbm>>) dst(%arg11 : memref<8x256xf32, #tpu.memory_space<vmem>>)
    return
  }
}

</mosaic_0001>

<sc_bundles>
// kernel: kernel.3.cloned.1.call-start
scs
__scs_entry_jumppad:
0x0: {  	(pc) =	sbr.rel $0x88, $3  }
0x1: {  	(tag) =	ssettag $0x0;
	lr =	simm.s32 $0x1  }
0x2: {  	[smem:$0x3F9F] =	sst lr;
	_ =	strace $0xD0000000  }
0x3: {  	_ = 	snop  }
0x4: {  	_ = 	snop  }
0x5: {  	_ = 	snop  }
0x6: {  	_ = 	snop  }
0x7: {  	_ = 	snop  }
__scs_overlays_trampoline_lowered:
0x8: {  	[smem:$0x3FAE] =	sst s0  }
0x9: {  	[smem:$0x3FAF] =	sst s1  }
0xa: {  	[smem:$0x3FB0] =	sst s2  }
0xb: {  	[smem:$0x3FB1] =	sst s3  }
0xc: {  	[smem:$0x3FB2] =	sst s4  }
0xd: {  	[smem:$0x3FB3] =	sst s5  }
0xe: {  	[smem:$0x3FB4] =	sst s6  }
0xf: {  	[smem:$0x3FB5] =	sst s7  }
0x10: {  	[smem:$0x3FB6] =	sst s8  }
0x11: {  	[smem:$0x3FB7] =	sst s9;
	s0 =	simm.s32 @!p0 $0x0  }
0x12: {  	s1 =	sld [smem:$0x3F9D];
	s0 =	simm.s32 @p0 $0x1  }
0x13: {  	[smem:$0x3FB8] =	sst s0;
	s0 =	simm.s32 @!p1 $0x0  }
0x14: {  	s2 =	sld [smem:$0x3F9C];
	s0 =	simm.s32 @p1 $0x1  }
0x15: {  	[smem:$0x3FB9] =	sst s0;
	s0 =	simm.s32 @!p2 $0x0  }
0x16: {  	s3 =	sld [smem:$0x3FDB];
	s0 =	simm.s32 @p2 $0x1  }
0x17: {  	s4 =	simm.s32 $0x1BF5;
	[smem:$0x3FBB] =	sst s0  }
0x18: {  	s0 =	sld [smem:$0x3F9E];
	_ =	swait.ge [sflag:s4], $0x0  }
0x19: {  	s7 =	sld [smem:$0x3F9F]  }
0x1a: {  	s8 =	sadd.s32 $0xFFFFE003, lr  }
0x1b: {  	s9 =	sadd.s32 $0xFFFFFEF7, lr;
	s5 =	simm.s32 $0xFFFFFFFF;
	p2 =	slt.u32 s8, $0xFFFFF086  }
0x1c: {  	p1 =	slt.u32 s9, $0xF7A;
	s5 =	simm.s32 @!p2 $0x0  }
0x1d: {  	s5 =	simm.s32 @p1 $0x1;
	p0 =	seq.s32 s7, s2  }
0x1e: {  	s7 =	smul.u32 @!p0 $0xF7A, s2;
	p2 =	seq.s32 @!p0 s5, $0x0  }
0x1f: {  	s9 =	smul.u32 $0xF7A, s1;
	s8 =	simm.s32 @!p0 $0x1BF5;
	p2 =	por !p2, p0  }
0x20: {  	[sflag:s8] =	ssyncset.s32 @!p0 $0xFFFFF086;
	s6 =	sadd.s32 @!p0 s3, s7;
	s7 =	simm.s32 @!p0 $0x108  }
0x21: {  	s3 =	sadd.s32 s3, s9;
	s6 =	sadd.s32 @!p0 $0x88, s6;
	s7 =	simm.s32 @p2 $0x1082  }
0x22: {  	[simem:s7], [sflag:s8] =	dma.local @!p0 [hbm:s6], $0xF7A  }
0x23: {  	s9 =	sor.u32 $0xD0000000, s2;
	s6 =	simm.s32 $0x108;
	_ =	swait.ge @!p0 [sflag:s8], $0x0  }
0x24: {  	s3 =	sadd.s32 $0x88, s3;
	s6 =	simm.s32 @!p1 $0x1082;
	[sflag:s4] =	ssyncset.s32 $0xFFFFF086  }
0x25: {  	[simem:s6], [sflag:s4] =	dma.local [hbm:s3], $0xF7A  }
0x26: {  	[smem:$0x3F9F] =	sst s1;
	(tag) =	ssettag s2;
	_ =	strace s9  }
0x27: {  	s1 =	sld [smem:$0x3FAF]  }
0x28: {  	s2 =	sld [smem:$0x3FB0]  }
0x29: {  	s4 =	sld [smem:$0x3FB2]  }
0x2a: {  	p0 =	seq.s32 s5, $0x0;
	s5 =	sld [smem:$0x3FB3]  }
0x2b: {  	s6 =	sld [smem:$0x3FB4]  }
0x2c: {  	s7 =	sld [smem:$0x3FB5]  }
0x2d: {  	s3 =	simm.s32 $0x108;
	s8 =	sld [smem:$0x3FB6]  }
0x2e: {  	s3 =	simm.s32 @!p0 $0x1082;
	s9 =	sld [smem:$0x3FB7]  }
0x2f: {  	lr =	sadd.s32 s0, s3;
	s0 =	sld [smem:$0x3FAE]  }
0x30: {  	s3 =	sld [smem:$0x3FB1]  }
0x31: {  	[smem:$0x3FBA] =	sst s10  }
0x32: {  	s10 =	sld [smem:$0x3FB8];
	_ =	sdelay $0x3  }
0x33: {  	p0 =	seq.s32 s10, $0x1;
	s10 =	sld [smem:$0x3FBA];
	_ =	sdelay $0x3  }
0x34: {  	[smem:$0x3FBA] =	sst s10  }
0x35: {  	s10 =	sld [smem:$0x3FB9];
	_ =	sdelay $0x3  }
0x36: {  	p1 =	seq.s32 s10, $0x1;
	s10 =	sld [smem:$0x3FBA];
	_ =	sdelay $0x3  }
0x37: {  	[smem:$0x3FBA] =	sst s10  }
0x38: {  	s10 =	sld [smem:$0x3FBB]  }
0x39: {  	_ = 	snop;
	(pc) =	sbr.ind lr, $3  }
0x3a: {  	_ = 	snop  }
0x3b: {  	_ = 	snop  }
0x3c: {  	p2 =	seq.s32 s10, $0x1;
	s10 =	sld [smem:$0x3FBA]  }
0x3d: {  	_ =	shalt  }
0x3e: {  	_ =	shalt  }
0x3f: {  	_ =	shalt  }
0x40: {  	_ =	shalt  }
0x41: {  	_ =	shalt  }
0x42: {  	_ =	shalt  }
0x43: {  	_ =	shalt  }
0x44: {  	_ =	shalt  }
0x45: {  	_ =	shalt  }
0x46: {  	_ =	shalt  }
0x47: {  	_ =	shalt  }
0x48: {  	_ =	shalt  }
0x49: {  	_ =	shalt  }
0x4a: {  	_ =	shalt  }
0x4b: {  	_ =	shalt  }
0x4c: {  	_ =	shalt  }
0x4d: {  	_ =	shalt  }
0x4e: {  	_ =	shalt  }
0x4f: {  	_ =	shalt  }
0x50: {  	_ =	shalt  }
0x51: {  	_ =	shalt  }
0x52: {  	_ =	shalt  }
0x53: {  	_ =	shalt  }
0x54: {  	_ =	shalt  }
0x55: {  	_ =	shalt  }
0x56: {  	_ =	shalt  }
0x57: {  	_ =	shalt  }
0x58: {  	_ =	shalt  }
0x59: {  	_ =	shalt  }
0x5a: {  	_ =	shalt  }
0x5b: {  	_ =	shalt  }
0x5c: {  	_ =	shalt  }
0x5d: {  	_ =	shalt  }
0x5e: {  	_ =	shalt  }
0x5f: {  	_ =	shalt  }
0x60: {  	_ =	shalt  }
0x61: {  	_ =	shalt  }
0x62: {  	_ =	shalt  }
0x63: {  	_ =	shalt  }
0x64: {  	_ =	shalt  }
0x65: {  	_ =	shalt  }
0x66: {  	_ =	shalt  }
0x67: {  	_ =	shalt  }
0x68: {  	_ =	shalt  }
0x69: {  	_ =	shalt  }
0x6a: {  	_ =	shalt  }
0x6b: {  	_ =	shalt  }
0x6c: {  	_ =	shalt  }
0x6d: {  	_ =	shalt  }
0x6e: {  	_ =	shalt  }
0x6f: {  	_ =	shalt  }
0x70: {  	_ =	shalt  }
0x71: {  	_ =	shalt  }
0x72: {  	_ =	shalt  }
0x73: {  	_ =	shalt  }
0x74: {  	_ =	shalt  }
0x75: {  	_ =	shalt  }
0x76: {  	_ =	shalt  }
0x77: {  	_ =	shalt  }
0x78: {  	_ =	shalt  }
0x79: {  	_ =	shalt  }
0x7a: {  	_ =	shalt  }
0x7b: {  	_ =	shalt  }
0x7c: {  	_ =	shalt  }
0x7d: {  	_ =	shalt  }
0x7e: {  	_ =	shalt  }
0x7f: {  	_ =	shalt  }
0x80: {  	_ =	shalt  }
0x81: {  	_ =	shalt  }
0x82: {  	_ =	shalt  }
0x83: {  	_ =	shalt  }
0x84: {  	_ =	shalt  }
0x85: {  	_ =	shalt  }
0x86: {  	_ =	shalt  }
0x87: {  	_ =	shalt  }
.Lfunc_end0:
.L_simem_size_0:
called_computation_lowered:
.L_overlay_start_0:
0x88: {  	s2 =	sld [smem:$0x3FD9]  }
0x89: {  	s3 =	sld [smem:$0x3FFE];
	_ =	sdelay $0x1  }
0x8a: {  	s1 =	srdreg.scid  }
0x8b: {  	s0 =	sand.u32 $0x1, s1  }
0x8c: {  	s17 =	sshll.u32 s0, $0xA;
	s2 =	sadd.s32 s3, s2  }
0x8d: {  	s2 =	sadd.s32 s2, s17  }
0x8e: {  	[smem:$0x3FC6] =	sst s2  }
0x8f: {  	_ = 	snop  }
0x90: {  	s2 =	sld [smem:$0x3FC8]  }
0x91: {  	s18 =	sld [smem:$0x3FD0];
	(tm) =	ssettm $0x1  }
0x92: {  	s4 =	sld [smem:$0x3FFB];
	_ =	sdelay $0x3  }
0x93: {  	_ =	strace s4  }
0x94: {  	s4 =	sld [smem:$0x3FFC];
	_ =	sdelay $0x3  }
0x95: {  	_ =	strace s4  }
0x96: {  	s4 =	sld [smem:$0x3FFD];
	_ =	sdelay $0x3  }
0x97: {  	_ =	strace s4  }
0x98: {  	_ =	strace $0x8FFFFFFF  }
0x99: {  	s19 =	sld [smem:$0x3FDB];
	_ =	sdelay $0x1  }
0x9a: {  	s5 =	simm.s32 $_scs_section_size  }
0x9b: {  	s6 =	simm.s32 $_size__tile_overlayer_lowered;
	s7 =	simm.s32 $_tile_overlayer_lowered  }
0x9c: {  	s22 =	simm.s32 $0x1BFF;
	s21 =	sshll.u32 s7, $0x1;
	s4 =	sadd.s32 s5, s19  }
0x9d: {  	s8 =	simm.s32 $0x0;
	s20 =	sshll.u32 s6, $0x1;
	s6 =	sadd.s32 s21, s4  }
0x9e: {  	[timem:s8], [sflag:s22] =	dma.local [hbm:s6], s20  }
0x9f: {  	_ =	swait.ge [sflag:s22], s20  }
0xa0: {  	s5 =	ssub.s32 $0x0, s20;
	[sflag:s22] =	ssyncset.done $0x0  }
0xa1: {  	[sflag:s22] =	ssyncadd.s32 s5;
	_ =	sdelay $0x1  }
0xa2: {  	s23 =	simm.s32 $0x1B8B  }
0xa3: {  	_ =	swait.ge [sflag:s23], $0x1  }
0xa4: {  	[sflag:s23] =	ssyncset.done $0x0  }
0xa5: {  	s25 =	simm.s32 $0x1B8E;
	s24 =	sld [smem:$0x3FFE];
	[sflag:s23] =	ssyncadd.s32 $0xFFFFFFFF  }
0xa6: {  	s26 =	simm.s32 $execute0_lowered;
	[smem:$0x3FD2] =	sst s25  }
0xa7: {  	s6 =	sshll.u32 s26, $0x1;
	_ =	strace $0x80000046;
	[dreg:$0x1] =	wrdreg $0xFFFFFFFF  }
0xa8: {  	s28 =	simm.s32 $_size_execute0_lowered;
	s4 =	sadd.s32 s4, s6;
	[dreg:$0x0] =	wrdreg $0x0  }
0xa9: {  	s6 =	sshll.u32 s28, $0x1;
	[dreg:$0x2] =	wrdreg s4  }
0xaa: {  	[dreg:$0x3] =	wrdreg s6  }
0xab: {  	[dreg:$0x4] =	wrdreg $0xC0  }
0xac: {  	_ =	task [dreg:s8], $0x5FFFF  }
0xad: {  	[dreg:$0x1] =	wrdreg $0xFFFFFFFF  }
0xae: {  	[dreg:$0x0] =	wrdreg $0x60  }
0xaf: {  	[dreg:$0x2] =	wrdreg s24  }
0xb0: {  	[dreg:$0x3] =	wrdreg s2  }
0xb1: {  	[dreg:$0x4] =	wrdreg s18  }
0xb2: {  	[dreg:$0x5] =	wrdreg $0x9  }
0xb3: {  	_ =	task.clear_ibuf [dreg:s8], $0x6FFFF;
	_ =	strace $0x90000046  }
0xb4: {  	s29 =	simm.s32 $0x9;
	_ =	strace $0x80000048  }
0xb5: {  	_ =	swait.ge [sflag:s29], $0x1  }
0xb6: {  	[sflag:s29] =	ssyncadd.s32 $0xFFFFFFFF  }
0xb7: {  	_ =	strace $0x90000048  }
0xb8: {  	_ =	sfence  }
0xb9: {  	s30 =	sld [smem:$0x0];
	_ =	sdelay $0x2  }
0xba: {  	s31 =	sshll.u32 s1, $0xD;
	s1 =	sshrl.u32 s1, $0x2  }
0xbb: {  	s3 =	sand.u32 $0x4000, s31;
	s1 =	sadd.s32 s1, s30  }
0xbc: {  	s0 =	sor.u32 s3, s0;
	s1 =	sshll.u32 s1, $0x11  }
0xbd: {  	s0 =	sor.u32 s1, s0  }
0xbe: {  	s0 =	sadd.s32 $0x8F2B, s0  }
0xbf: {  	[sflag:s0] =	ssyncadd.remote.s32 $0x1  }
0xc0: {  	_ =	sfence.sel $0xFFFF  }
0xc1: {  	[dreg:$0x0] =	wrdreg $0xFFFFFFFF;
	(pc) =	sbr.abs _section_cstart, $3  }
0xc2: {  	[dreg:$0x1] =	wrdreg $0xFFFFFFFF  }
0xc3: {  	_ =	task.clear_ibuf [dreg:s8], $0x2FFFF;
	_ =	strace $0x9FFFFFFF  }
0xc4: {  	(tm) =	ssettm $0x7FFFFFFF  }
0xc5: {  	_ =	shalt  }
tec
execute0_lowered:
.L_overlay_start_1:
0x0: {  	(tag) =	ssettag $0x1  }
0x1: {  	s0 =	rddreg [dreg:$0x0]  }
0x2: {  	s1 =	rddreg [dreg:$0x1]  }
0x3: {  	s2 =	rddreg [dreg:$0x2]  }
0x4: {  	s4 =	simm.s32 $0x0;
	s3 =	srdreg.scid;
	s6 =	stileid.u32  }
0x5: {  	s16 =	simm.s32 $0x8880;
	s17 =	simm.s32 $0x11100;
	s18 =	simm.s32 $0x19980  }
0x6: {  	s19 =	simm.s32 $0x1A180;
	s28 =	simm.s32 $0x1D980;
	s29 =	simm.s32 $0x2  }
0x7: {  	s30 =	simm.s32 $0x1E180;
	s31 =	simm.s32 $0x1E980;
	[smem:$0x7FF] =	sst s4  }
0x8: {  	s3 =	sand.u32 $0x1, s3;
	s6 =	sshll.u32 s6, $0x3;
	s7 =	sadd.s32 $0x400, s0  }
0x9: {  	s21 =	sadd.s32 $0x3800, s0;
	s24 =	sadd.s32 $0x1504, s0;
	_ =	strace $0x80000047  }
0xa: {  	s5 =	ssub.s32 $0x2, s3;
	s3 =	sshll.u32 s3, $0x2;
	[dreg:$0x4] =	wrdreg s7  }
0xb: {  	s0 =	sadd.s32 $0x2608, s0;
	[dreg:$0x5] =	wrdreg s21;
	s6 =	sor.u32 s3, s6  }
0xc: {  	[dreg:$0x6] =	wrdreg s24;
	s20 =	sshrl.u32 s5, $0x1;
	s23 =	sshll.u32 s6, $0x8  }
0xd: {  	[dreg:$0x7] =	wrdreg s0;
	s22 =	ssub.s32 s5, s20;
	s25 =	sadd.s32 s1, s23  }
0xe: {  	s24 =	simm.s32 $0x1;
	s26 =	smax.u32 s22, $0x1;
	[dreg:$0x8] =	wrdreg s25  }
0xf: {  	s20 =	simm.s32 $0x1A980;
	s5 =	sadd.s32 $0x8000, s25;
	[dreg:$0xb] =	wrdreg s26  }
0x10: {  	s0 =	sadd.s32 $0x10000, s25;
	s26 =	simm.s32 $0x1D180;
	[dreg:$0x9] =	wrdreg s5  }
0x11: {  	v0 =	vimm.bf16 $0.0e+00;
	[dreg:$0xa] =	wrdreg s0;
	s0 =	simm.s32 $0x1F180;
	s5 =	simm.s32 $0x0  }
.LBB2_1:
0x12: {  	[dreg:$0xc] =	wrdreg s5  }
0x13: {  	s3 =	rddreg [dreg:$0x5];
	s12 =	simm.s32 $0x1F980;
	s13 =	simm.s32 $0x5  }
0x14: {  	[tilespmem:s12], [sflag:$0x5] =	stream.linear.gather [hbm4b:s3+s4], $0x1, $0x38;
	[tilespmem:$0x1FA00] =	vst v63  }
0x15: {  	_ =	swait.ge [sflag:s13], $0x1  }
0x16: {  	[sflag:s13] =	ssyncset.done $0x0  }
0x17: {  	s14 =	rddreg [dreg:$0x4];
	[sflag:s13] =	ssyncadd.s32 $0xFFFFFFFF  }
0x18: {  	v1 =	vld.msk [tilespmem:$0x1F980 ss:$0x0], $0xffff;
	[tilespmem:s4], [sflag:$0x5] =	stream.linear.gather [hbm4b:s14+s4], $0x8820, $0x38  }
0x19: {  	_ =	swait.ge [sflag:s13], $0x8820  }
0x1a: {  	[sflag:s13] =	ssyncset.done $0x0  }
0x1b: {  	s15 =	rddreg [dreg:$0x6];
	[sflag:s13] =	ssyncadd.s32 $0xFFFF77E0  }
0x1c: {  	[tilespmem:s16], [sflag:$0x5] =	stream.linear.gather [hbm4b:s15+s4], $0x8820, $0x38;
	[tilespmem:$0x1FA00] =	vst v63  }
0x1d: {  	_ =	swait.ge [sflag:s13], $0x8820  }
0x1e: {  	[sflag:s13] =	ssyncset.done $0x0  }
0x1f: {  	s21 =	rddreg [dreg:$0x7];
	[sflag:s13] =	ssyncadd.s32 $0xFFFF77E0  }
0x20: {  	[tilespmem:s17], [sflag:$0x5] =	stream.linear.gather [hbm4b:s21+s4], $0x8820, $0x38;
	[tilespmem:$0x1FA00] =	vst v63  }
0x21: {  	_ =	swait.ge [sflag:s13], $0x8820  }
0x22: {  	[sflag:s13] =	ssyncset.done $0x0  }
0x23: {  	s22 =	rddreg [dreg:$0x8];
	[sflag:s13] =	ssyncadd.s32 $0xFFFF77E0  }
0x24: {  	[tilespmem:s18], [sflag:$0x1] =	stream.linear.gather [hbm4b:s22+s4], $0x800, $0x38;
	[tilespmem:$0x1FA00] =	vst v63  }
0x25: {  	s23 =	rddreg [dreg:$0x9]  }
0x26: {  	[tilespmem:s19], [sflag:$0x1] =	stream.linear.gather [hbm4b:s23+s4], $0x800, $0x38;
	[tilespmem:$0x1FA00] =	vst v63  }
0x27: {  	s7 =	simm.s32 $0x0;
	s25 =	rddreg [dreg:$0xa]  }
0x28: {  	[tilespmem:s20], [sflag:$0x1] =	stream.linear.gather [hbm4b:s25+s4], $0x800, $0x38;
	[tilespmem:$0x1FA00] =	vst v63  }
.LBB2_2:
0x29: {  	s12 =	sshll.u32 s7, $0x1  }
0x2a: {  	s3 =	sshrl.u32 s7, $0x1;
	s5 =	sand.u32 $0x2, s12  }
0x2b: {  	s3 =	smul.u32 $0xC0000, s3;
	s5 =	sor.u32 s6, s5  }
0x2c: {  	s5 =	sshll.u32 s5, $0xB  }
0x2d: {  	s3 =	sor.u32 s3, s5  }
0x2e: {  	s13 =	sshrl.u32 s3, $0x3  }
0x2f: {  	s8 =	sor.u32 $0x100, s13  }
0x30: {  	s10 =	simm.s32 $0x1B180;
	s9 =	sadd.s32 s1, s8  }
0x31: {  	[tilespmem:s10], [sflag:$0x2] =	stream.linear.gather [hbm4b:s9+s4], $0x800, $0x38;
	[tilespmem:$0x1FA00] =	vst v63  }
0x32: {  	s9 =	sadd.s32 $0x8100, s13  }
0x33: {  	s14 =	simm.s32 $0x1B980;
	s11 =	sadd.s32 s1, s9  }
0x34: {  	[tilespmem:s14], [sflag:$0x2] =	stream.linear.gather [hbm4b:s11+s4], $0x800, $0x38;
	[tilespmem:$0x1FA00] =	vst v63  }
0x35: {  	s11 =	sadd.s32 $0x10100, s13  }
0x36: {  	s21 =	simm.s32 $0x1C180;
	s15 =	sadd.s32 s1, s11  }
0x37: {  	[tilespmem:s21], [sflag:$0x2] =	stream.linear.gather [hbm4b:s15+s4], $0x800, $0x38;
	[tilespmem:$0x1FA00] =	vst v63  }
0x38: {  	_ =	swait.ge [sflag:s24], $0x800  }
0x39: {  	[sflag:s24] =	ssyncset.done $0x0  }
0x3a: {  	[sflag:s24] =	ssyncadd.s32 $0xFFFFF800  }
0x3b: {  	_ =	swait.ge [sflag:s24], $0x800  }
0x3c: {  	[sflag:s24] =	ssyncset.done $0x0  }
0x3d: {  	[sflag:s24] =	ssyncadd.s32 $0xFFFFF800  }
0x3e: {  	_ =	swait.ge [sflag:s24], $0x800  }
0x3f: {  	p0 =	seq.s32 s7, $0x0;
	[sflag:s24] =	ssyncset.done $0x0  }
0x40: {  	s3 =	simm.s32 @!p0 $0x3;
	[sflag:s24] =	ssyncadd.s32 $0xFFFFF800  }
0x41: {  	_ =	swait.ge @!p0 [sflag:s3], $0x800  }
0x42: {  	[sflag:s3] =	ssyncset.done @!p0 $0x0  }
0x43: {  	[sflag:s3] =	ssyncadd.s32 @!p0 $0xFFFFF800  }
0x44: {  	_ =	swait.ge @!p0 [sflag:s3], $0x800  }
0x45: {  	[sflag:s3] =	ssyncset.done @!p0 $0x0  }
0x46: {  	s22 =	simm.s32 $0x0;
	[sflag:s3] =	ssyncadd.s32 @!p0 $0xFFFFF800  }
0x47: {  	s10 =	sand.u32 $0x400, s22;
	s14 =	sand.u32 $0x380, s22;
	_ =	swait.ge @!p0 [sflag:s3], $0x800  }
0x48: {  	s5 =	sand.u32 $0x60, s22;
	s10 =	sor.u32 s14, s10;
	[sflag:s3] =	ssyncset.done @!p0 $0x0  }
0x49: {  	s10 =	sor.u32 s5, s10;
	[sflag:s3] =	ssyncadd.s32 @!p0 $0xFFFFF800  }
0x4a: {  	v2 =	vld [tilespmem:s10+$0x19990]  }
0x4b: {  	v3 =	vld [tilespmem:s10+$0x1A190]  }
0x4c: {  	v4 =	vld [tilespmem:s10+$0x1A990];
	_ =	sdelay $0x3  }
0x4d: {  	v5 =	vld [tilespmem:s10+$0x1A180];
	v7 =	vmul.f32 v2, v1  }
0x4e: {  	v2 =	vmul.f32 v3, v1;
	v4 =	vmul.f32 v4, v1  }
0x4f: {  	v8 =	vtrunc.f32 v7  }
0x50: {  	v6 =	vld [tilespmem:s10+$0x1A980];
	v9 =	vtrunc.f32 v2;
	v10 =	vtrunc.f32 v4  }
0x51: {  	v3 =	vld [tilespmem:s10+$0x19980];
	v9 =	vcvt.f32.s32 v9;
	v10 =	vcvt.f32.s32 v10  }
0x52: {  	v5 =	vmul.f32 v5, v1;
	v8 =	vcvt.f32.s32 v8  }
0x53: {  	v12 =	vmul.u32 $0x420, v10;
	v13 =	vshll.u32 v9, $0x5  }
0x54: {  	v11 =	vtrunc.f32 v5;
	v13 =	vadd.s32 v8, v13  }
0x55: {  	v6 =	vmul.f32 v6, v1;
	v11 =	vcvt.f32.s32 v11;
	v12 =	vadd.s32 v12, v13  }
0x56: {  	v3 =	vmul.f32 v3, v1  }
0x57: {  	v14 =	vtrunc.f32 v6;
	v9 =	vcvt.s32.f32 v9;
	v16 =	vshll.u32 v11, $0x5  }
0x58: {  	v13 =	vcvt.f32.s32 v14;
	v14 =	vtrunc.f32 v3;
	v15 =	vadd.s32 $0x420, v12  }
0x59: {  	v10 =	vcvt.s32.f32 v10;
	v14 =	vcvt.f32.s32 v14;
	v18 =	vadd.s32 $0x20, v12  }
0x5a: {  	v2 =	vsub.f32 v2, v9;
	v19 =	vadd.s32 $0x440, v12;
	v17 =	vmul.u32 $0x420, v13;
	v9 =	vld.idx.msk [tilespmem:v12+s17+$0x0], $0xffff  }
0x5b: {  	v4 =	vsub.f32 v4, v10;
	v16 =	vadd.s32 v14, v16;
	v31 =	vld.idx.msk [tilespmem:v12+s4+$0x0], $0xffff  }
0x5c: {  	v11 =	vcvt.s32.f32 v11;
	v16 =	vadd.s32 v17, v16;
	v12 =	vld.idx.msk [tilespmem:v12+s16+$0x0], $0xffff  }
0x5d: {  	v13 =	vcvt.s32.f32 v13;
	v17 =	vmul.f32 v4, v2;
	v10 =	vld.idx.msk [tilespmem:v15+s17+$0x0], $0xffff  }
0x5e: {  	v8 =	vcvt.s32.f32 v8;
	v5 =	vsub.f32 v5, v11;
	v23 =	vsub.f32 $1.000000000e+00, v2;
	v21 =	vld.idx.msk [tilespmem:v18+s17+$0x0], $0xffff  }
0x5f: {  	v6 =	vsub.f32 v6, v13;
	v20 =	vadd.s32 $0x420, v16;
	v22 =	vld.idx.msk [tilespmem:v19+s17+$0x0], $0xffff;
	v4 =	vsub.f32 v4, v17  }
0x60: {  	v7 =	vsub.f32 v7, v8;
	v30 =	vsub.f32 v2, v17;
	v8 =	vpack.i.f32.bf16 v17, v17;
	v17 =	vld.idx.msk [tilespmem:v18+s4+$0x0], $0xffff  }
0x61: {  	v25 =	vmul.f32 v6, v5;
	v13 =	vsub.f32 v23, v4;
	v24 =	vld.idx.msk [tilespmem:v16+s4+$0x0], $0xffff  }
0x62: {  	v27 =	vsub.f32 $1.000000000e+00, v5;
	v11 =	vld.idx.msk [tilespmem:v16+s16+$0x0], $0xffff  }
0x63: {  	v14 =	vcvt.s32.f32 v14;
	v6 =	vsub.f32 v6, v25;
	v23 =	vld.idx.msk [tilespmem:v16+s17+$0x0], $0xffff;
	v13 =	vpack.i.f32.bf16 v13, v13  }
0x64: {  	v29 =	vadd.s32 $0x20, v16;
	v2 =	vadd.s32 $0x440, v16;
	v26 =	vld.idx.msk [tilespmem:v20+s4+$0x0], $0xffff;
	v9 =	vmul.bf16 v9, v13  }
0x65: {  	v5 =	vsub.f32 v5, v25;
	v4 =	vpack.i.f32.bf16 v4, v4;
	v28 =	vld.idx.msk [tilespmem:v20+s16+$0x0], $0xffff;
	v16 =	vsub.f32 v27, v6  }
0x66: {  	v20 =	vld.idx.msk [tilespmem:v20+s17+$0x0], $0xffff;
	v27 =	vpack.i.f32.bf16 v30, v30;
	v10 =	vmul.bf16 v10, v4;
	v9 =	vadd.bf16 v0, v9  }
0x67: {  	v30 =	vld.idx.msk [tilespmem:v19+s4+$0x0], $0xffff;
	v32 =	vpack.i.f32.bf16 v6, v6;
	v12 =	vmul.bf16 v12, v13;
	v16 =	vpack.i.f32.bf16 v16, v16  }
0x68: {  	v6 =	vadd.bf16 v10, v9;
	v9 =	vmul.bf16 v21, v27;
	v10 =	vsub.f32 v3, v14;
	v14 =	vld.idx.msk [tilespmem:v18+s16+$0x0], $0xffff  }
0x69: {  	v12 =	vadd.bf16 v0, v12;
	v24 =	vmul.bf16 v24, v16;
	v11 =	vmul.bf16 v11, v16;
	v21 =	vld.idx.msk [tilespmem:v15+s4+$0x0], $0xffff  }
0x6a: {  	v18 =	vsub.f32 $1.000000000e+00, v7;
	v15 =	vld.idx.msk [tilespmem:v15+s16+$0x0], $0xffff;
	v6 =	vadd.bf16 v9, v6;
	v9 =	vmul.bf16 v22, v8  }
0x6b: {  	v19 =	vld.idx.msk [tilespmem:v19+s16+$0x0], $0xffff;
	v3 =	vpack.i.f32.bf16 v25, v25;
	v20 =	vmul.bf16 v20, v32;
	v22 =	vsub.f32 $1.000000000e+00, v10  }
0x6c: {  	s23 =	simm.s32 $0x10;
	s25 =	simm.s32 $0x100;
	v25 =	vadd.bf16 v9, v6;
	v6 =	vpack.i.f32.bf16 v7, v18;
	v7 =	vmul.bf16 v23, v16;
	v16 =	vld.idx.msk [tilespmem:v29+s4+$0x0], $0xffff  }
0x6d: {  	s14 =	simm.s32 $0x20;
	s5 =	sand.u32 $0x400, s25;
	s3 =	sand.u32 $0x380, s23;
	v11 =	vadd.bf16 v0, v11;
	v9 =	vpack.i.f32.bf16 v10, v22;
	v22 =	vld.idx.msk [tilespmem:v29+s16+$0x0], $0xffff;
	v23 =	vmul.bf16 v26, v32  }
0x6e: {  	s15 =	sand.u32 $0x60, s14;
	s3 =	sor.u32 s3, s5;
	v18 =	vadd.bf16 v0, v24;
	v24 =	vld.idx.msk [tilespmem:v29+s17+$0x0], $0xffff;
	v26 =	vmul.bf16 v28, v32;
	v10 =	vmul.bf16 v25, v6  }
0x6f: {  	s3 =	sor.u32 s15, s3;
	v28 =	vld.idx.msk [tilespmem:v2+s4+$0x0], $0xffff;
	v21 =	vmul.bf16 v21, v4;
	v4 =	vmul.bf16 v15, v4;
	v7 =	vadd.bf16 v0, v7  }
0x70: {  	v11 =	vadd.bf16 v26, v11;
	v26 =	vld [tilespmem:s3+$0x1A990];
	v25 =	vunpack.i.u.bf16.f32 v10;
	v10 =	vunpack.i.l.bf16.f32 v10  }
0x71: {  	v7 =	vadd.bf16 v20, v7;
	v20 =	vmul.bf16 v30, v8;
	v8 =	vmul.bf16 v19, v8;
	v19 =	vld [tilespmem:s3+$0x1A190]  }
0x72: {  	v5 =	vpack.i.f32.bf16 v5, v5;
	v10 =	vadd.f32 v10, v25;
	v25 =	vmul.bf16 v31, v13;
	v13 =	vld [tilespmem:s3+$0x19990]  }
0x73: {  	v14 =	vmul.bf16 v14, v27;
	v4 =	vadd.bf16 v4, v12;
	v15 =	vmul.bf16 v16, v5;
	v16 =	vld [tilespmem:s3+$0x1A180]  }
0x74: {  	v17 =	vmul.bf16 v17, v27;
	v18 =	vadd.bf16 v23, v18;
	v23 =	vld.idx.msk [tilespmem:v2+s16+$0x0], $0xffff;
	v22 =	vmul.bf16 v22, v5  }
0x75: {  	v54 =	vld.idx.msk [tilespmem:v2+s17+$0x0], $0xffff;
	v5 =	vmul.bf16 v24, v5;
	v4 =	vadd.bf16 v14, v4;
	v25 =	vadd.bf16 v0, v25  }
0x76: {  	v12 =	vadd.bf16 v15, v18;
	v18 =	vmul.bf16 v28, v3;
	v11 =	vadd.bf16 v22, v11  }
0x77: {  	v14 =	vmul.f32 v26, v1;
	v21 =	vadd.bf16 v21, v25;
	v19 =	vmul.f32 v19, v1  }
0x78: {  	v22 =	vadd.bf16 v5, v7;
	v13 =	vmul.f32 v13, v1;
	v16 =	vmul.f32 v16, v1  }
0x79: {  	v15 =	vadd.bf16 v17, v21;
	v21 =	vmul.bf16 v23, v3;
	v7 =	vtrunc.f32 v19  }
0x7a: {  	v30 =	vadd.bf16 v8, v4;
	v17 =	vld [tilespmem:s3+$0x1A980];
	v3 =	vmul.bf16 v54, v3;
	v5 =	vtrunc.f32 v13  }
0x7b: {  	v12 =	vadd.bf16 v18, v12;
	v23 =	vld [tilespmem:s3+$0x19980];
	v7 =	vcvt.f32.s32 v7;
	v4 =	vtrunc.f32 v16  }
0x7c: {  	v20 =	vadd.bf16 v20, v15;
	v15 =	vtrunc.f32 v14;
	v18 =	vcvt.f32.s32 v5  }
0x7d: {  	v4 =	vcvt.f32.s32 v4;
	v15 =	vcvt.f32.s32 v15  }
0x7e: {  	v21 =	vadd.bf16 v21, v11;
	v8 =	vshll.u32 v7, $0x5;
	v7 =	vcvt.s32.f32 v7  }
0x7f: {  	v17 =	vmul.f32 v17, v1;
	v5 =	vmul.u32 $0x420, v15;
	v15 =	vcvt.s32.f32 v15  }
0x80: {  	v8 =	vadd.s32 v18, v8;
	v23 =	vmul.f32 v23, v1;
	v7 =	vsub.f32 v19, v7  }
0x81: {  	v24 =	vtrunc.f32 v17;
	v25 =	vadd.s32 v5, v8;
	v8 =	vsub.f32 v14, v15  }
0x82: {  	v14 =	vshll.u32 v4, $0x5;
	v19 =	vtrunc.f32 v23;
	v5 =	vcvt.f32.s32 v24  }
0x83: {  	v4 =	vcvt.s32.f32 v4;
	v26 =	vadd.s32 $0x420, v25;
	v19 =	vcvt.f32.s32 v19  }
0x84: {  	v24 =	vmul.f32 v8, v7;
	v15 =	vcvt.s32.f32 v5;
	v5 =	vmul.u32 $0x420, v5  }
0x85: {  	v4 =	vsub.f32 v16, v4;
	v16 =	vadd.s32 $0x20, v25;
	v14 =	vadd.s32 v19, v14  }
0x86: {  	v22 =	vadd.bf16 v3, v22;
	v15 =	vsub.f32 v17, v15;
	v14 =	vadd.s32 v5, v14  }
0x87: {  	v17 =	vsub.f32 v8, v24;
	v27 =	vld.idx.msk [tilespmem:v25+s17+$0x0], $0xffff;
	v8 =	vsub.f32 $1.000000000e+00, v7  }
0x88: {  	v18 =	vcvt.s32.f32 v18;
	v28 =	vadd.s32 $0x440, v25;
	v29 =	vmul.f32 v15, v4  }
0x89: {  	v19 =	vcvt.s32.f32 v19;
	v55 =	vsub.f32 v7, v24;
	v11 =	vld.idx.msk [tilespmem:v26+s17+$0x0], $0xffff;
	v31 =	vsub.f32 v8, v17  }
0x8a: {  	v5 =	vsub.f32 $1.000000000e+00, v4;
	v33 =	vld.idx.msk [tilespmem:v16+s17+$0x0], $0xffff;
	v2 =	vsub.f32 v15, v29;
	v15 =	vadd.s32 $0x420, v14  }
0x8b: {  	v19 =	vsub.f32 v23, v19;
	v7 =	vpack.i.f32.bf16 v17, v17;
	v31 =	vpack.i.f32.bf16 v31, v31;
	v17 =	vld.idx.msk [tilespmem:v14+s4+$0x0], $0xffff  }
0x8c: {  	v23 =	vld.idx.msk [tilespmem:v14+s16+$0x0], $0xffff;
	v35 =	vsub.f32 v5, v2;
	v36 =	vpack.i.f32.bf16 v2, v2;
	v2 =	vmul.bf16 v27, v31  }
0x8d: {  	v18 =	vsub.f32 v13, v18;
	v58 =	vpack.i.f32.bf16 v24, v24;
	v8 =	vadd.s32 $0x20, v14;
	v27 =	vld.idx.msk [tilespmem:v28+s17+$0x0], $0xffff  }
0x8e: {  	v24 =	vsub.f32 $1.000000000e+00, v19;
	v56 =	vld.idx.msk [tilespmem:v14+s17+$0x0], $0xffff;
	v38 =	vmul.bf16 v11, v7;
	v37 =	vadd.bf16 v0, v2  }
0x8f: {  	v34 =	vsub.f32 v4, v29;
	v4 =	vadd.s32 $0x440, v14;
	v11 =	vpack.i.f32.bf16 v55, v55;
	v57 =	vld.idx.msk [tilespmem:v15+s4+$0x0], $0xffff  }
0x90: {  	v2 =	vpack.i.f32.bf16 v29, v29;
	v29 =	vmul.bf16 v33, v11;
	v59 =	vld.idx.msk [tilespmem:v15+s16+$0x0], $0xffff;
	v14 =	vadd.bf16 v38, v37  }
0x91: {  	v13 =	vmul.bf16 v12, v9;
	v3 =	vpack.i.f32.bf16 v19, v24;
	v35 =	vpack.i.f32.bf16 v35, v35;
	v15 =	vld.idx.msk [tilespmem:v15+s17+$0x0], $0xffff  }
0x92: {  	v17 =	vmul.bf16 v17, v35;
	v27 =	vmul.bf16 v27, v58;
	v14 =	vadd.bf16 v29, v14  }
0x93: {  	v60 =	vld.idx.msk [tilespmem:v25+s4+$0x0], $0xffff;
	v5 =	vpack.i.f32.bf16 v34, v34;
	v23 =	vmul.bf16 v23, v35;
	v29 =	vsub.f32 $1.000000000e+00, v18  }
0x94: {  	v17 =	vadd.bf16 v0, v17;
	v19 =	vadd.bf16 v27, v14;
	v27 =	vld.idx.msk [tilespmem:v25+s16+$0x0], $0xffff;
	v14 =	vmul.bf16 v21, v9  }
0x95: {  	v12 =	vpack.i.f32.bf16 v18, v29;
	v18 =	vld.idx.msk [tilespmem:v28+s4+$0x0], $0xffff;
	v21 =	vmul.bf16 v56, v35;
	v29 =	vmul.bf16 v57, v36  }
0x96: {  	v61 =	vld.idx.msk [tilespmem:v28+s16+$0x0], $0xffff;
	v28 =	vadd.bf16 v0, v23;
	v62 =	vmul.bf16 v15, v36;
	v24 =	vmul.bf16 v19, v12  }
0x97: {  	v25 =	vld.idx.msk [tilespmem:v16+s4+$0x0], $0xffff;
	v19 =	vmul.bf16 v22, v9;
	v9 =	vadd.bf16 v0, v21;
	v15 =	vadd.bf16 v29, v17  }
0x98: {  	[tilespmem:s10+$0x1D990] =	vst v10;
	v23 =	vld.idx.msk [tilespmem:v26+s4+$0x0], $0xffff;
	v17 =	vmul.bf16 v60, v31;
	v10 =	vunpack.i.u.bf16.f32 v24;
	v21 =	vunpack.i.l.bf16.f32 v24  }
0x99: {  	v24 =	vld.idx.msk [tilespmem:v16+s16+$0x0], $0xffff;
	v16 =	vmul.bf16 v59, v36;
	v63 =	vadd.f32 v21, v10;
	v21 =	vmul.bf16 v20, v6  }
0x9a: {  	v22 =	vld.idx.msk [tilespmem:v26+s16+$0x0], $0xffff;
	v29 =	vmul.bf16 v27, v31;
	v27 =	vadd.bf16 v0, v17;
	v17 =	vmul.bf16 v18, v58  }
0x9b: {  	v26 =	vld.idx.msk [tilespmem:v8+s4+$0x0], $0xffff;
	v18 =	vmul.bf16 v61, v58;
	v10 =	vadd.bf16 v16, v28;
	v16 =	vadd.bf16 v62, v9  }
0x9c: {  	s21 =	simm.s32 $0x200;
	s5 =	simm.s32 $0x20;
	s15 =	simm.s32 $0x2;
	v20 =	vunpack.i.u.bf16.f32 v13;
	v28 =	vld.idx.msk [tilespmem:v8+s16+$0x0], $0xffff;
	v9 =	vmul.bf16 v30, v6;
	[tilespmem:s3+$0x1D990] =	vst v63;
	v29 =	vadd.bf16 v0, v29  }
.LBB2_3:
0x9d: {  	s22 =	sand.u32 $0x400, s21;
	s23 =	sand.u32 $0x380, s5;
	v8 =	vld.idx.msk [tilespmem:v8+s17+$0x0], $0xffff;
	v25 =	vmul.bf16 v25, v11;
	s14 =	sadd.s32 $0x20, s14;
	v13 =	vunpack.i.l.bf16.f32 v13;
	v30 =	vunpack.i.u.bf16.f32 v14;
	v6 =	vmovc v12  }
0x9e: {  	v11 =	vmul.bf16 v24, v11;
	v14 =	vunpack.i.l.bf16.f32 v14;
	v24 =	vunpack.i.u.bf16.f32 v19;
	s25 =	sand.u32 $0x60, s14;
	s22 =	sor.u32 s23, s22;
	v12 =	vld.idx.msk [tilespmem:v4+s4+$0x0], $0xffff  }
0x9f: {  	s15 =	sadd.s32 $0x2, s15;
	v19 =	vunpack.i.l.bf16.f32 v19;
	v32 =	vunpack.i.u.bf16.f32 v21;
	v23 =	vmul.bf16 v23, v7;
	s22 =	sor.u32 s25, s22;
	v31 =	vld.idx.msk [tilespmem:v4+s16+$0x0], $0xffff  }
0xa0: {  	v21 =	vunpack.i.l.bf16.f32 v21;
	p1 =	slt.u32 s15, $0x7E;
	v7 =	vmul.bf16 v22, v7;
	v22 =	vunpack.i.u.bf16.f32 v9;
	v33 =	vld [tilespmem:s22+$0x19990]  }
0xa1: {  	v26 =	vmul.bf16 v26, v5;
	v23 =	vadd.bf16 v23, v27;
	v27 =	vunpack.i.l.bf16.f32 v9;
	v34 =	vld [tilespmem:s22+$0x1A190]  }
0xa2: {  	v13 =	vadd.f32 v13, v20;
	v9 =	vmul.bf16 v28, v5;
	v7 =	vadd.bf16 v7, v29;
	v35 =	vld [tilespmem:s22+$0x1A990]  }
0xa3: {  	v15 =	vadd.bf16 v26, v15;
	v5 =	vmul.bf16 v8, v5;
	v8 =	vadd.bf16 v25, v23;
	v20 =	vld [tilespmem:s22+$0x1A180]  }
0xa4: {  	v25 =	vadd.bf16 v9, v10;
	v9 =	vmul.bf16 v12, v2;
	v7 =	vadd.bf16 v11, v7;
	v23 =	vld [tilespmem:s22+$0x1A980];
	[tilespmem:s10+$0x1C980] =	vst v13  }
0xa5: {  	v12 =	vadd.bf16 v5, v16;
	v5 =	vmul.bf16 v31, v2;
	v10 =	vadd.bf16 v17, v8;
	v11 =	vld [tilespmem:s22+$0x19980]  }
0xa6: {  	v13 =	vmul.f32 v33, v1;
	v15 =	vadd.bf16 v9, v15;
	v9 =	vadd.bf16 v18, v7;
	v16 =	vld.idx.msk [tilespmem:v4+s17+$0x0], $0xffff  }
0xa7: {  	v4 =	vmul.f32 v34, v1;
	v17 =	vadd.bf16 v5, v25;
	v7 =	vmul.f32 v35, v1  }
0xa8: {  	v14 =	vadd.f32 v14, v30;
	v8 =	vtrunc.f32 v13;
	v5 =	vmul.f32 v20, v1  }
0xa9: {  	v19 =	vadd.f32 v19, v24;
	v18 =	vtrunc.f32 v4;
	v20 =	vtrunc.f32 v7  }
0xaa: {  	v18 =	vcvt.f32.s32 v18;
	v20 =	vcvt.f32.s32 v20;
	[tilespmem:s10+$0x1D180] =	vst v14;
	v14 =	vadd.f32 v21, v32  }
0xab: {  	v21 =	vmul.f32 v23, v1;
	v23 =	vcvt.f32.s32 v8;
	v8 =	vadd.f32 v27, v22;
	[tilespmem:s10+$0x1D980] =	vst v19  }
0xac: {  	v19 =	vtrunc.f32 v5;
	v24 =	vshll.u32 v18, $0x5;
	v22 =	vmul.u32 $0x420, v20;
	[tilespmem:s10+$0x1C990] =	vst v14  }
0xad: {  	v14 =	vcvt.f32.s32 v19;
	v19 =	vtrunc.f32 v21;
	v24 =	vadd.s32 v23, v24;
	[tilespmem:s10+$0x1D190] =	vst v8;
	s10 =	smov.u32 s3;
	s3 =	smov.u32 s22  }
0xae: {  	v8 =	vcvt.s32.f32 v18;
	v18 =	vcvt.s32.f32 v20;
	v20 =	vadd.s32 v22, v24  }
0xaf: {  	v22 =	vmul.f32 v11, v1;
	v11 =	vcvt.f32.s32 v19;
	v19 =	vshll.u32 v14, $0x5  }
0xb0: {  	v24 =	vsub.f32 v4, v8;
	v4 =	vsub.f32 v7, v18;
	v18 =	vadd.s32 $0x420, v20  }
0xb1: {  	v7 =	vcvt.s32.f32 v14;
	v8 =	vcvt.s32.f32 v11;
	v11 =	vmul.u32 $0x420, v11  }
0xb2: {  	v26 =	vadd.s32 $0x20, v20;
	v14 =	vtrunc.f32 v22;
	v25 =	vmul.f32 v4, v24  }
0xb3: {  	v14 =	vcvt.f32.s32 v14;
	v5 =	vsub.f32 v5, v7;
	v7 =	vsub.f32 v21, v8;
	v21 =	vld.idx.msk [tilespmem:v20+s17+$0x0], $0xffff  }
0xb4: {  	v28 =	vadd.s32 $0x440, v20;
	v27 =	vsub.f32 v4, v25;
	v4 =	vsub.f32 $1.000000000e+00, v24  }
0xb5: {  	v8 =	vadd.s32 v14, v19;
	v29 =	vsub.f32 $1.000000000e+00, v5;
	v19 =	vmul.f32 v7, v5;
	v30 =	vld.idx.msk [tilespmem:v18+s17+$0x0], $0xffff  }
0xb6: {  	v14 =	vcvt.s32.f32 v14;
	v31 =	vadd.s32 v11, v8;
	v11 =	vsub.f32 v4, v27  }
0xb7: {  	v32 =	vadd.s32 $0x420, v31;
	v8 =	vadd.s32 $0x20, v31;
	v7 =	vsub.f32 v7, v19;
	v33 =	vld.idx.msk [tilespmem:v26+s17+$0x0], $0xffff  }
0xb8: {  	v4 =	vadd.s32 $0x440, v31;
	v5 =	vsub.f32 v5, v19;
	v34 =	vpack.i.f32.bf16 v11, v11  }
0xb9: {  	v11 =	vsub.f32 v29, v7;
	v29 =	vpack.i.f32.bf16 v7, v7;
	v21 =	vmul.bf16 v21, v34;
	v35 =	vld.idx.msk [tilespmem:v28+s17+$0x0], $0xffff  }
0xba: {  	v24 =	vsub.f32 v24, v25;
	v5 =	vpack.i.f32.bf16 v5, v5;
	v7 =	vpack.i.f32.bf16 v27, v27  }
0xbb: {  	v27 =	vpack.i.f32.bf16 v11, v11;
	v21 =	vadd.bf16 v0, v21;
	v30 =	vmul.bf16 v30, v7;
	v36 =	vld.idx.msk [tilespmem:v31+s4+$0x0], $0xffff  }
0xbc: {  	v23 =	vcvt.s32.f32 v23;
	v19 =	vpack.i.f32.bf16 v19, v19;
	v11 =	vpack.i.f32.bf16 v24, v24;
	v37 =	vld.idx.msk [tilespmem:v31+s16+$0x0], $0xffff  }
0xbd: {  	v14 =	vsub.f32 v22, v14;
	v21 =	vadd.bf16 v30, v21;
	v24 =	vmul.bf16 v33, v11;
	v22 =	vld.idx.msk [tilespmem:v31+s17+$0x0], $0xffff  }
0xbe: {  	v23 =	vsub.f32 v13, v23;
	v13 =	vmul.bf16 v16, v2;
	v31 =	vpack.i.f32.bf16 v25, v25;
	v30 =	vld.idx.msk [tilespmem:v32+s4+$0x0], $0xffff  }
0xbf: {  	v16 =	vsub.f32 $1.000000000e+00, v14;
	v2 =	vmovc v19;
	v21 =	vadd.bf16 v24, v21;
	v24 =	vmul.bf16 v35, v31;
	v33 =	vld.idx.msk [tilespmem:v32+s16+$0x0], $0xffff  }
0xc0: {  	v19 =	vsub.f32 $1.000000000e+00, v23;
	v25 =	vadd.bf16 v13, v12;
	v13 =	vmul.bf16 v15, v3;
	v32 =	vld.idx.msk [tilespmem:v32+s17+$0x0], $0xffff  }
0xc1: {  	v15 =	vpack.i.f32.bf16 v14, v16;
	v16 =	vmul.bf16 v36, v27;
	v21 =	vadd.bf16 v24, v21;
	v35 =	vld.idx.msk [tilespmem:v20+s4+$0x0], $0xffff  }
0xc2: {  	v12 =	vpack.i.f32.bf16 v23, v19;
	v14 =	vmul.bf16 v17, v3;
	v24 =	vmul.bf16 v37, v27;
	v20 =	vld.idx.msk [tilespmem:v20+s16+$0x0], $0xffff  }
0xc3: {  	v16 =	vadd.bf16 v0, v16;
	v17 =	vmul.bf16 v22, v27;
	v21 =	vmul.bf16 v21, v12;
	v36 =	vld.idx.msk [tilespmem:v28+s4+$0x0], $0xffff  }
0xc4: {  	v19 =	vmul.bf16 v25, v3;
	v22 =	vadd.bf16 v0, v24;
	v23 =	vmul.bf16 v30, v29;
	v30 =	vld.idx.msk [tilespmem:v28+s16+$0x0], $0xffff  }
0xc5: {  	v3 =	vmovc v15;
	v17 =	vadd.bf16 v0, v17;
	v27 =	vunpack.i.u.bf16.f32 v21;
	v21 =	vunpack.i.l.bf16.f32 v21;
	v25 =	vld.idx.msk [tilespmem:v26+s4+$0x0], $0xffff  }
.Ltmp0:
0xc6: {  	v28 =	vmul.bf16 v33, v29;
	v29 =	vmul.bf16 v32, v29;
	v24 =	vld.idx.msk [tilespmem:v26+s16+$0x0], $0xffff;
	v26 =	vadd.f32 v21, v27;
	(pc) =	sbr.rel @p1 .LBB2_3-.Ltmp0, $4  }
0xc7: {  	v15 =	vadd.bf16 v23, v16;
	v27 =	vmul.bf16 v35, v34;
	v21 =	vmul.bf16 v10, v6;
	v23 =	vld.idx.msk [tilespmem:v18+s4+$0x0], $0xffff  }
0xc8: {  	v10 =	vadd.bf16 v28, v22;
	v32 =	vmul.bf16 v20, v34;
	v20 =	vunpack.i.u.bf16.f32 v13;
	v22 =	vld.idx.msk [tilespmem:v18+s16+$0x0], $0xffff;
	[tilespmem:s3+$0x1D990] =	vst v26  }
0xc9: {  	v16 =	vadd.bf16 v29, v17;
	v27 =	vadd.bf16 v0, v27;
	v17 =	vmul.bf16 v36, v31;
	v26 =	vld.idx.msk [tilespmem:v8+s4+$0x0], $0xffff  }
0xca: {  	s5 =	sadd.s32 $0x10, s5;
	s21 =	sadd.s32 $0x100, s21;
	v9 =	vmul.bf16 v9, v6;
	v29 =	vadd.bf16 v0, v32;
	v18 =	vmul.bf16 v30, v31;
	v28 =	vld.idx.msk [tilespmem:v8+s16+$0x0], $0xffff  }
0xcb: {  	_ =	sdelay $0x3  }
0xcc: {  	v8 =	vld.idx.msk [tilespmem:v8+s17+$0x0], $0xffff  }
0xcd: {  	v6 =	vmul.bf16 v25, v11;
	v11 =	vmul.bf16 v24, v11;
	v24 =	vld.idx.msk [tilespmem:v4+s4+$0x0], $0xffff  }
0xce: {  	v13 =	vunpack.i.l.bf16.f32 v13;
	v31 =	vld.idx.msk [tilespmem:v4+s16+$0x0], $0xffff;
	v23 =	vmul.bf16 v23, v7  }
0xcf: {  	v25 =	vunpack.i.u.bf16.f32 v14;
	v14 =	vunpack.i.l.bf16.f32 v14;
	v4 =	vld.idx.msk [tilespmem:v4+s17+$0x0], $0xffff;
	v7 =	vmul.bf16 v22, v7  }
0xd0: {  	v30 =	vunpack.i.u.bf16.f32 v19;
	v22 =	vmul.bf16 v26, v5;
	v23 =	vadd.bf16 v23, v27  }
0xd1: {  	v13 =	vadd.f32 v13, v20;
	v26 =	vmul.bf16 v28, v5;
	v7 =	vadd.bf16 v7, v29  }
0xd2: {  	v15 =	vadd.bf16 v22, v15;
	v5 =	vmul.bf16 v8, v5;
	v6 =	vadd.bf16 v6, v23  }
0xd3: {  	v8 =	vadd.bf16 v26, v10;
	v10 =	vmul.bf16 v24, v2;
	v7 =	vadd.bf16 v11, v7  }
0xd4: {  	v11 =	vmul.bf16 v31, v2;
	v2 =	vmul.bf16 v4, v2;
	v4 =	vunpack.i.u.bf16.f32 v9  }
0xd5: {  	v9 =	vunpack.i.l.bf16.f32 v9;
	v5 =	vadd.bf16 v5, v16;
	v6 =	vadd.bf16 v17, v6  }
0xd6: {  	v19 =	vunpack.i.l.bf16.f32 v19;
	v4 =	vadd.f32 v9, v4;
	v10 =	vadd.bf16 v10, v15  }
0xd7: {  	v32 =	vunpack.i.u.bf16.f32 v21;
	v7 =	vadd.bf16 v18, v7;
	v8 =	vadd.bf16 v11, v8  }
0xd8: {  	v21 =	vunpack.i.l.bf16.f32 v21;
	v11 =	vadd.f32 v14, v25;
	v2 =	vadd.bf16 v2, v5  }
0xd9: {  	[tilespmem:s10+$0x1C980] =	vst v13;
	v14 =	vadd.f32 v19, v30;
	v10 =	vmul.bf16 v10, v3;
	v8 =	vmul.bf16 v8, v3  }
0xda: {  	v5 =	vadd.f32 v21, v32;
	[tilespmem:s10+$0x1D190] =	vst v4;
	v7 =	vmul.bf16 v7, v12;
	v2 =	vmul.bf16 v2, v3  }
0xdb: {  	[tilespmem:s10+$0x1D180] =	vst v11;
	v3 =	vmul.bf16 v6, v12;
	v6 =	vunpack.i.u.bf16.f32 v10;
	v9 =	vunpack.i.l.bf16.f32 v10  }
0xdc: {  	[tilespmem:s10+$0x1C990] =	vst v5;
	v5 =	vunpack.i.u.bf16.f32 v8;
	v8 =	vunpack.i.l.bf16.f32 v8;
	v6 =	vadd.f32 v9, v6  }
0xdd: {  	[tilespmem:s10+$0x1D980] =	vst v14;
	v4 =	vunpack.i.u.bf16.f32 v2;
	v2 =	vunpack.i.l.bf16.f32 v2;
	v5 =	vadd.f32 v8, v5  }
0xde: {  	v8 =	vunpack.i.u.bf16.f32 v3;
	v3 =	vunpack.i.l.bf16.f32 v3;
	v2 =	vadd.f32 v2, v4;
	[tilespmem:s3+$0x1C980] =	vst v6  }
0xdf: {  	v4 =	vunpack.i.u.bf16.f32 v7;
	v3 =	vadd.f32 v3, v8;
	v6 =	vunpack.i.l.bf16.f32 v7;
	[tilespmem:s3+$0x1D180] =	vst v5  }
0xe0: {  	[tilespmem:s3+$0x1D980] =	vst v2;
	v2 =	vadd.f32 v6, v4  }
0xe1: {  	[tilespmem:s3+$0x1C990] =	vst v3  }
0xe2: {  	s21 =	sadd.s32 s2, s13;
	s5 =	simm.s32 $0x1C980;
	[tilespmem:s3+$0x1D190] =	vst v2  }
0xe3: {  	[hbm4b:s21+s4] =	stream.linear.scatter [tilespmem:s5], [sflag:$0x3], $0x800, $0x38;
	[tilespmem:$0x1FA00] =	vst v63  }
0xe4: {  	s22 =	sadd.s32 $0x8000, s21  }
0xe5: {  	[hbm4b:s22+s4] =	stream.linear.scatter [tilespmem:s26], [sflag:$0x3], $0x800, $0x38;
	[tilespmem:$0x1FA00] =	vst v63  }
0xe6: {  	s23 =	smin.u32 s12, $0x3D;
	s3 =	sadd.s32 $0x10000, s21  }
0xe7: {  	[hbm4b:s3+s4] =	stream.linear.scatter [tilespmem:s28], [sflag:$0x3], $0x800, $0x38;
	[tilespmem:$0x1FA00] =	vst v63  }
0xe8: {  	s3 =	sadd.s32 $0x2, s23  }
0xe9: {  	s25 =	sshrl.u32 s3, $0x2;
	s12 =	sand.u32 $0x2, s3  }
0xea: {  	s10 =	sor.u32 s6, s12;
	s5 =	smul.u32 $0xC0000, s25  }
0xeb: {  	s3 =	sshll.u32 s3, $0xB;
	s10 =	sshll.u32 s10, $0xB  }
0xec: {  	s3 =	sand.u32 $0x800, s3;
	s5 =	sor.u32 s5, s10  }
0xed: {  	s3 =	sor.u32 s3, s5  }
0xee: {  	s3 =	sshrl.u32 s3, $0x3  }
0xef: {  	s3 =	sadd.s32 s1, s3  }
0xf0: {  	[tilespmem:s18], [sflag:$0x1] =	stream.linear.gather [hbm4b:s3+s4], $0x800, $0x38;
	[tilespmem:$0x1FA00] =	vst v63  }
0xf1: {  	s13 =	sadd.s32 $0x8000, s3  }
0xf2: {  	[tilespmem:s19], [sflag:$0x1] =	stream.linear.gather [hbm4b:s13+s4], $0x800, $0x38;
	[tilespmem:$0x1FA00] =	vst v63  }
0xf3: {  	s3 =	sadd.s32 $0x10000, s3  }
0xf4: {  	[tilespmem:s20], [sflag:$0x1] =	stream.linear.gather [hbm4b:s3+s4], $0x800, $0x38;
	[tilespmem:$0x1FA00] =	vst v63  }
0xf5: {  	_ =	swait.ge [sflag:s29], $0x800  }
0xf6: {  	[sflag:s29] =	ssyncset.done $0x0  }
0xf7: {  	[sflag:s29] =	ssyncadd.s32 $0xFFFFF800  }
0xf8: {  	_ =	swait.ge [sflag:s29], $0x800  }
0xf9: {  	[sflag:s29] =	ssyncset.done $0x0  }
0xfa: {  	[sflag:s29] =	ssyncadd.s32 $0xFFFFF800  }
0xfb: {  	_ =	swait.ge [sflag:s29], $0x800  }
0xfc: {  	[sflag:s29] =	ssyncset.done $0x0  }
0xfd: {  	s3 =	simm.s32 @!p0 $0x4;
	[sflag:s29] =	ssyncadd.s32 $0xFFFFF800  }
0xfe: {  	_ =	swait.ge @!p0 [sflag:s3], $0x800  }
0xff: {  	[sflag:s3] =	ssyncset.done @!p0 $0x0  }
0x100: {  	[sflag:s3] =	ssyncadd.s32 @!p0 $0xFFFFF800  }
0x101: {  	_ =	swait.ge @!p0 [sflag:s3], $0x800  }
0x102: {  	[sflag:s3] =	ssyncset.done @!p0 $0x0  }
0x103: {  	s14 =	simm.s32 $0x0;
	[sflag:s3] =	ssyncadd.s32 @!p0 $0xFFFFF800  }
0x104: {  	s15 =	sand.u32 $0x400, s14;
	s21 =	sand.u32 $0x380, s14;
	_ =	swait.ge @!p0 [sflag:s3], $0x800  }
0x105: {  	s10 =	sor.u32 s21, s15;
	s5 =	sand.u32 $0x60, s14;
	[sflag:s3] =	ssyncset.done @!p0 $0x0  }
0x106: {  	s10 =	sor.u32 s5, s10;
	[sflag:s3] =	ssyncadd.s32 @!p0 $0xFFFFF800  }
0x107: {  	v2 =	vld [tilespmem:s10+$0x1B190]  }
0x108: {  	v3 =	vld [tilespmem:s10+$0x1B990]  }
0x109: {  	v4 =	vld [tilespmem:s10+$0x1C190];
	_ =	sdelay $0x3  }
0x10a: {  	v5 =	vld [tilespmem:s10+$0x1B980];
	v7 =	vmul.f32 v2, v1  }
0x10b: {  	v2 =	vmul.f32 v3, v1;
	v4 =	vmul.f32 v4, v1  }
0x10c: {  	v8 =	vtrunc.f32 v7  }
0x10d: {  	v6 =	vld [tilespmem:s10+$0x1C180];
	v9 =	vtrunc.f32 v2;
	v10 =	vtrunc.f32 v4  }
0x10e: {  	v3 =	vld [tilespmem:s10+$0x1B180];
	v9 =	vcvt.f32.s32 v9;
	v10 =	vcvt.f32.s32 v10  }
0x10f: {  	v5 =	vmul.f32 v5, v1;
	v8 =	vcvt.f32.s32 v8  }
0x110: {  	v12 =	vmul.u32 $0x420, v10;
	v13 =	vshll.u32 v9, $0x5  }
0x111: {  	v11 =	vtrunc.f32 v5;
	v13 =	vadd.s32 v8, v13  }
0x112: {  	v6 =	vmul.f32 v6, v1;
	v11 =	vcvt.f32.s32 v11;
	v12 =	vadd.s32 v12, v13  }
0x113: {  	v3 =	vmul.f32 v3, v1  }
0x114: {  	v14 =	vtrunc.f32 v6;
	v9 =	vcvt.s32.f32 v9;
	v16 =	vshll.u32 v11, $0x5  }
0x115: {  	v13 =	vcvt.f32.s32 v14;
	v14 =	vtrunc.f32 v3;
	v15 =	vadd.s32 $0x420, v12  }
0x116: {  	v10 =	vcvt.s32.f32 v10;
	v14 =	vcvt.f32.s32 v14;
	v18 =	vadd.s32 $0x20, v12  }
0x117: {  	v2 =	vsub.f32 v2, v9;
	v19 =	vadd.s32 $0x440, v12;
	v17 =	vmul.u32 $0x420, v13;
	v9 =	vld.idx.msk [tilespmem:v12+s17+$0x0], $0xffff  }
0x118: {  	v4 =	vsub.f32 v4, v10;
	v16 =	vadd.s32 v14, v16;
	v31 =	vld.idx.msk [tilespmem:v12+s4+$0x0], $0xffff  }
0x119: {  	v11 =	vcvt.s32.f32 v11;
	v16 =	vadd.s32 v17, v16;
	v12 =	vld.idx.msk [tilespmem:v12+s16+$0x0], $0xffff  }
0x11a: {  	v13 =	vcvt.s32.f32 v13;
	v17 =	vmul.f32 v4, v2;
	v10 =	vld.idx.msk [tilespmem:v15+s17+$0x0], $0xffff  }
0x11b: {  	v8 =	vcvt.s32.f32 v8;
	v5 =	vsub.f32 v5, v11;
	v23 =	vsub.f32 $1.000000000e+00, v2;
	v21 =	vld.idx.msk [tilespmem:v18+s17+$0x0], $0xffff  }
0x11c: {  	v6 =	vsub.f32 v6, v13;
	v20 =	vadd.s32 $0x420, v16;
	v22 =	vld.idx.msk [tilespmem:v19+s17+$0x0], $0xffff;
	v4 =	vsub.f32 v4, v17  }
0x11d: {  	v7 =	vsub.f32 v7, v8;
	v30 =	vsub.f32 v2, v17;
	v8 =	vpack.i.f32.bf16 v17, v17;
	v17 =	vld.idx.msk [tilespmem:v18+s4+$0x0], $0xffff  }
0x11e: {  	v25 =	vmul.f32 v6, v5;
	v13 =	vsub.f32 v23, v4;
	v24 =	vld.idx.msk [tilespmem:v16+s4+$0x0], $0xffff  }
0x11f: {  	v27 =	vsub.f32 $1.000000000e+00, v5;
	v11 =	vld.idx.msk [tilespmem:v16+s16+$0x0], $0xffff  }
0x120: {  	v14 =	vcvt.s32.f32 v14;
	v6 =	vsub.f32 v6, v25;
	v23 =	vld.idx.msk [tilespmem:v16+s17+$0x0], $0xffff;
	v13 =	vpack.i.f32.bf16 v13, v13  }
0x121: {  	v29 =	vadd.s32 $0x20, v16;
	v2 =	vadd.s32 $0x440, v16;
	v26 =	vld.idx.msk [tilespmem:v20+s4+$0x0], $0xffff;
	v9 =	vmul.bf16 v9, v13  }
0x122: {  	v5 =	vsub.f32 v5, v25;
	v4 =	vpack.i.f32.bf16 v4, v4;
	v28 =	vld.idx.msk [tilespmem:v20+s16+$0x0], $0xffff;
	v16 =	vsub.f32 v27, v6  }
0x123: {  	v20 =	vld.idx.msk [tilespmem:v20+s17+$0x0], $0xffff;
	v27 =	vpack.i.f32.bf16 v30, v30;
	v10 =	vmul.bf16 v10, v4;
	v9 =	vadd.bf16 v0, v9  }
0x124: {  	v30 =	vld.idx.msk [tilespmem:v19+s4+$0x0], $0xffff;
	v53 =	vpack.i.f32.bf16 v6, v6;
	v12 =	vmul.bf16 v12, v13;
	v16 =	vpack.i.f32.bf16 v16, v16  }
0x125: {  	v6 =	vadd.bf16 v10, v9;
	v9 =	vmul.bf16 v21, v27;
	v10 =	vsub.f32 v3, v14;
	v14 =	vld.idx.msk [tilespmem:v18+s16+$0x0], $0xffff  }
0x126: {  	v12 =	vadd.bf16 v0, v12;
	v24 =	vmul.bf16 v24, v16;
	v11 =	vmul.bf16 v11, v16;
	v21 =	vld.idx.msk [tilespmem:v15+s4+$0x0], $0xffff  }
0x127: {  	v18 =	vsub.f32 $1.000000000e+00, v7;
	v15 =	vld.idx.msk [tilespmem:v15+s16+$0x0], $0xffff;
	v6 =	vadd.bf16 v9, v6;
	v9 =	vmul.bf16 v22, v8  }
0x128: {  	v19 =	vld.idx.msk [tilespmem:v19+s16+$0x0], $0xffff;
	v3 =	vpack.i.f32.bf16 v25, v25;
	v20 =	vmul.bf16 v20, v53;
	v22 =	vsub.f32 $1.000000000e+00, v10  }
0x129: {  	s22 =	simm.s32 $0x10;
	s23 =	simm.s32 $0x100;
	v25 =	vadd.bf16 v9, v6;
	v6 =	vpack.i.f32.bf16 v7, v18;
	v7 =	vmul.bf16 v23, v16;
	v16 =	vld.idx.msk [tilespmem:v29+s4+$0x0], $0xffff  }
0x12a: {  	s12 =	simm.s32 $0x20;
	s5 =	sand.u32 $0x400, s23;
	s3 =	sand.u32 $0x380, s22;
	v11 =	vadd.bf16 v0, v11;
	v9 =	vpack.i.f32.bf16 v10, v22;
	v22 =	vld.idx.msk [tilespmem:v29+s16+$0x0], $0xffff;
	v23 =	vmul.bf16 v26, v53  }
0x12b: {  	s25 =	sand.u32 $0x60, s12;
	s3 =	sor.u32 s3, s5;
	v18 =	vadd.bf16 v0, v24;
	v24 =	vld.idx.msk [tilespmem:v29+s17+$0x0], $0xffff;
	v26 =	vmul.bf16 v28, v53;
	v10 =	vmul.bf16 v25, v6  }
0x12c: {  	s3 =	sor.u32 s25, s3;
	v28 =	vld.idx.msk [tilespmem:v2+s4+$0x0], $0xffff;
	v21 =	vmul.bf16 v21, v4;
	v4 =	vmul.bf16 v15, v4;
	v7 =	vadd.bf16 v0, v7  }
0x12d: {  	v11 =	vadd.bf16 v26, v11;
	v26 =	vld [tilespmem:s3+$0x1C190];
	v25 =	vunpack.i.u.bf16.f32 v10;
	v10 =	vunpack.i.l.bf16.f32 v10  }
0x12e: {  	v7 =	vadd.bf16 v20, v7;
	v20 =	vmul.bf16 v30, v8;
	v8 =	vmul.bf16 v19, v8;
	v19 =	vld [tilespmem:s3+$0x1B990]  }
0x12f: {  	v5 =	vpack.i.f32.bf16 v5, v5;
	v10 =	vadd.f32 v10, v25;
	v25 =	vmul.bf16 v31, v13;
	v13 =	vld [tilespmem:s3+$0x1B190]  }
0x130: {  	v14 =	vmul.bf16 v14, v27;
	v4 =	vadd.bf16 v4, v12;
	v15 =	vmul.bf16 v16, v5;
	v16 =	vld [tilespmem:s3+$0x1B980]  }
0x131: {  	v17 =	vmul.bf16 v17, v27;
	v18 =	vadd.bf16 v23, v18;
	v23 =	vld.idx.msk [tilespmem:v2+s16+$0x0], $0xffff;
	v22 =	vmul.bf16 v22, v5  }
0x132: {  	v54 =	vld.idx.msk [tilespmem:v2+s17+$0x0], $0xffff;
	v5 =	vmul.bf16 v24, v5;
	v4 =	vadd.bf16 v14, v4;
	v25 =	vadd.bf16 v0, v25  }
0x133: {  	v12 =	vadd.bf16 v15, v18;
	v18 =	vmul.bf16 v28, v3;
	v11 =	vadd.bf16 v22, v11  }
0x134: {  	v14 =	vmul.f32 v26, v1;
	v21 =	vadd.bf16 v21, v25;
	v19 =	vmul.f32 v19, v1  }
0x135: {  	v22 =	vadd.bf16 v5, v7;
	v13 =	vmul.f32 v13, v1;
	v16 =	vmul.f32 v16, v1  }
0x136: {  	v15 =	vadd.bf16 v17, v21;
	v21 =	vmul.bf16 v23, v3;
	v7 =	vtrunc.f32 v19  }
0x137: {  	v30 =	vadd.bf16 v8, v4;
	v17 =	vld [tilespmem:s3+$0x1C180];
	v3 =	vmul.bf16 v54, v3;
	v5 =	vtrunc.f32 v13  }
0x138: {  	v12 =	vadd.bf16 v18, v12;
	v23 =	vld [tilespmem:s3+$0x1B180];
	v7 =	vcvt.f32.s32 v7;
	v4 =	vtrunc.f32 v16  }
0x139: {  	v20 =	vadd.bf16 v20, v15;
	v15 =	vtrunc.f32 v14;
	v18 =	vcvt.f32.s32 v5  }
0x13a: {  	v4 =	vcvt.f32.s32 v4;
	v15 =	vcvt.f32.s32 v15  }
0x13b: {  	v21 =	vadd.bf16 v21, v11;
	v8 =	vshll.u32 v7, $0x5;
	v7 =	vcvt.s32.f32 v7  }
0x13c: {  	v17 =	vmul.f32 v17, v1;
	v5 =	vmul.u32 $0x420, v15;
	v15 =	vcvt.s32.f32 v15  }
0x13d: {  	v8 =	vadd.s32 v18, v8;
	v23 =	vmul.f32 v23, v1;
	v7 =	vsub.f32 v19, v7  }
0x13e: {  	v24 =	vtrunc.f32 v17;
	v25 =	vadd.s32 v5, v8;
	v8 =	vsub.f32 v14, v15  }
0x13f: {  	v14 =	vshll.u32 v4, $0x5;
	v19 =	vtrunc.f32 v23;
	v5 =	vcvt.f32.s32 v24  }
0x140: {  	v4 =	vcvt.s32.f32 v4;
	v26 =	vadd.s32 $0x420, v25;
	v19 =	vcvt.f32.s32 v19  }
0x141: {  	v24 =	vmul.f32 v8, v7;
	v15 =	vcvt.s32.f32 v5;
	v5 =	vmul.u32 $0x420, v5  }
0x142: {  	v4 =	vsub.f32 v16, v4;
	v16 =	vadd.s32 $0x20, v25;
	v14 =	vadd.s32 v19, v14  }
0x143: {  	v22 =	vadd.bf16 v3, v22;
	v15 =	vsub.f32 v17, v15;
	v14 =	vadd.s32 v5, v14  }
0x144: {  	v17 =	vsub.f32 v8, v24;
	v27 =	vld.idx.msk [tilespmem:v25+s17+$0x0], $0xffff;
	v8 =	vsub.f32 $1.000000000e+00, v7  }
0x145: {  	v18 =	vcvt.s32.f32 v18;
	v28 =	vadd.s32 $0x440, v25;
	v29 =	vmul.f32 v15, v4  }
0x146: {  	v19 =	vcvt.s32.f32 v19;
	v55 =	vsub.f32 v7, v24;
	v11 =	vld.idx.msk [tilespmem:v26+s17+$0x0], $0xffff;
	v31 =	vsub.f32 v8, v17  }
0x147: {  	v5 =	vsub.f32 $1.000000000e+00, v4;
	v33 =	vld.idx.msk [tilespmem:v16+s17+$0x0], $0xffff;
	v2 =	vsub.f32 v15, v29;
	v15 =	vadd.s32 $0x420, v14  }
0x148: {  	v19 =	vsub.f32 v23, v19;
	v7 =	vpack.i.f32.bf16 v17, v17;
	v31 =	vpack.i.f32.bf16 v31, v31;
	v17 =	vld.idx.msk [tilespmem:v14+s4+$0x0], $0xffff  }
0x149: {  	v23 =	vld.idx.msk [tilespmem:v14+s16+$0x0], $0xffff;
	v35 =	vsub.f32 v5, v2;
	v36 =	vpack.i.f32.bf16 v2, v2;
	v2 =	vmul.bf16 v27, v31  }
0x14a: {  	v18 =	vsub.f32 v13, v18;
	v58 =	vpack.i.f32.bf16 v24, v24;
	v8 =	vadd.s32 $0x20, v14;
	v27 =	vld.idx.msk [tilespmem:v28+s17+$0x0], $0xffff  }
0x14b: {  	v24 =	vsub.f32 $1.000000000e+00, v19;
	v56 =	vld.idx.msk [tilespmem:v14+s17+$0x0], $0xffff;
	v38 =	vmul.bf16 v11, v7;
	v37 =	vadd.bf16 v0, v2  }
0x14c: {  	v34 =	vsub.f32 v4, v29;
	v4 =	vadd.s32 $0x440, v14;
	v11 =	vpack.i.f32.bf16 v55, v55;
	v57 =	vld.idx.msk [tilespmem:v15+s4+$0x0], $0xffff  }
0x14d: {  	v2 =	vpack.i.f32.bf16 v29, v29;
	v29 =	vmul.bf16 v33, v11;
	v59 =	vld.idx.msk [tilespmem:v15+s16+$0x0], $0xffff;
	v14 =	vadd.bf16 v38, v37  }
0x14e: {  	v13 =	vmul.bf16 v12, v9;
	v3 =	vpack.i.f32.bf16 v19, v24;
	v35 =	vpack.i.f32.bf16 v35, v35;
	v15 =	vld.idx.msk [tilespmem:v15+s17+$0x0], $0xffff  }
0x14f: {  	v17 =	vmul.bf16 v17, v35;
	v27 =	vmul.bf16 v27, v58;
	v14 =	vadd.bf16 v29, v14  }
0x150: {  	v60 =	vld.idx.msk [tilespmem:v25+s4+$0x0], $0xffff;
	v5 =	vpack.i.f32.bf16 v34, v34;
	v23 =	vmul.bf16 v23, v35;
	v29 =	vsub.f32 $1.000000000e+00, v18  }
0x151: {  	v17 =	vadd.bf16 v0, v17;
	v19 =	vadd.bf16 v27, v14;
	v27 =	vld.idx.msk [tilespmem:v25+s16+$0x0], $0xffff;
	v14 =	vmul.bf16 v21, v9  }
0x152: {  	v12 =	vpack.i.f32.bf16 v18, v29;
	v18 =	vld.idx.msk [tilespmem:v28+s4+$0x0], $0xffff;
	v21 =	vmul.bf16 v56, v35;
	v29 =	vmul.bf16 v57, v36  }
0x153: {  	v61 =	vld.idx.msk [tilespmem:v28+s16+$0x0], $0xffff;
	v28 =	vadd.bf16 v0, v23;
	v62 =	vmul.bf16 v15, v36;
	v24 =	vmul.bf16 v19, v12  }
0x154: {  	v25 =	vld.idx.msk [tilespmem:v16+s4+$0x0], $0xffff;
	v19 =	vmul.bf16 v22, v9;
	v9 =	vadd.bf16 v0, v21;
	v15 =	vadd.bf16 v29, v17  }
0x155: {  	[tilespmem:s10+$0x1F190] =	vst v10;
	v23 =	vld.idx.msk [tilespmem:v26+s4+$0x0], $0xffff;
	v17 =	vmul.bf16 v60, v31;
	v10 =	vunpack.i.u.bf16.f32 v24;
	v21 =	vunpack.i.l.bf16.f32 v24  }
0x156: {  	v24 =	vld.idx.msk [tilespmem:v16+s16+$0x0], $0xffff;
	v16 =	vmul.bf16 v59, v36;
	v63 =	vadd.f32 v21, v10;
	v21 =	vmul.bf16 v20, v6  }
0x157: {  	v22 =	vld.idx.msk [tilespmem:v26+s16+$0x0], $0xffff;
	v29 =	vmul.bf16 v27, v31;
	v27 =	vadd.bf16 v0, v17;
	v17 =	vmul.bf16 v18, v58  }
0x158: {  	v26 =	vld.idx.msk [tilespmem:v8+s4+$0x0], $0xffff;
	v18 =	vmul.bf16 v61, v58;
	v10 =	vadd.bf16 v16, v28;
	v16 =	vadd.bf16 v62, v9  }
0x159: {  	s14 =	simm.s32 $0x200;
	s13 =	simm.s32 $0x2;
	s5 =	simm.s32 $0x20;
	v20 =	vunpack.i.u.bf16.f32 v13;
	v28 =	vld.idx.msk [tilespmem:v8+s16+$0x0], $0xffff;
	v9 =	vmul.bf16 v30, v6;
	[tilespmem:s3+$0x1F190] =	vst v63;
	v29 =	vadd.bf16 v0, v29  }
.LBB2_5:
0x15a: {  	s15 =	sand.u32 $0x400, s14;
	s21 =	sand.u32 $0x380, s5;
	v8 =	vld.idx.msk [tilespmem:v8+s17+$0x0], $0xffff;
	v25 =	vmul.bf16 v25, v11;
	s12 =	sadd.s32 $0x20, s12;
	v13 =	vunpack.i.l.bf16.f32 v13;
	v30 =	vunpack.i.u.bf16.f32 v14;
	v6 =	vmovc v12  }
0x15b: {  	v11 =	vmul.bf16 v24, v11;
	v14 =	vunpack.i.l.bf16.f32 v14;
	v24 =	vunpack.i.u.bf16.f32 v19;
	s22 =	sand.u32 $0x60, s12;
	s15 =	sor.u32 s21, s15;
	v12 =	vld.idx.msk [tilespmem:v4+s4+$0x0], $0xffff  }
0x15c: {  	s13 =	sadd.s32 $0x2, s13;
	v19 =	vunpack.i.l.bf16.f32 v19;
	v32 =	vunpack.i.u.bf16.f32 v21;
	v23 =	vmul.bf16 v23, v7;
	s15 =	sor.u32 s22, s15;
	v31 =	vld.idx.msk [tilespmem:v4+s16+$0x0], $0xffff  }
0x15d: {  	v21 =	vunpack.i.l.bf16.f32 v21;
	p0 =	slt.u32 s13, $0x7E;
	v7 =	vmul.bf16 v22, v7;
	v22 =	vunpack.i.u.bf16.f32 v9;
	v33 =	vld [tilespmem:s15+$0x1B190]  }
0x15e: {  	v26 =	vmul.bf16 v26, v5;
	v23 =	vadd.bf16 v23, v27;
	v27 =	vunpack.i.l.bf16.f32 v9;
	v34 =	vld [tilespmem:s15+$0x1B990]  }
0x15f: {  	v13 =	vadd.f32 v13, v20;
	v9 =	vmul.bf16 v28, v5;
	v7 =	vadd.bf16 v7, v29;
	v35 =	vld [tilespmem:s15+$0x1C190]  }
0x160: {  	v15 =	vadd.bf16 v26, v15;
	v5 =	vmul.bf16 v8, v5;
	v8 =	vadd.bf16 v25, v23;
	v20 =	vld [tilespmem:s15+$0x1B980]  }
0x161: {  	v25 =	vadd.bf16 v9, v10;
	v9 =	vmul.bf16 v12, v2;
	v7 =	vadd.bf16 v11, v7;
	v23 =	vld [tilespmem:s15+$0x1C180];
	[tilespmem:s10+$0x1E180] =	vst v13  }
0x162: {  	v12 =	vadd.bf16 v5, v16;
	v5 =	vmul.bf16 v31, v2;
	v10 =	vadd.bf16 v17, v8;
	v11 =	vld [tilespmem:s15+$0x1B180]  }
0x163: {  	v13 =	vmul.f32 v33, v1;
	v15 =	vadd.bf16 v9, v15;
	v9 =	vadd.bf16 v18, v7;
	v16 =	vld.idx.msk [tilespmem:v4+s17+$0x0], $0xffff  }
0x164: {  	v4 =	vmul.f32 v34, v1;
	v17 =	vadd.bf16 v5, v25;
	v7 =	vmul.f32 v35, v1  }
0x165: {  	v14 =	vadd.f32 v14, v30;
	v8 =	vtrunc.f32 v13;
	v5 =	vmul.f32 v20, v1  }
0x166: {  	v19 =	vadd.f32 v19, v24;
	v18 =	vtrunc.f32 v4;
	v20 =	vtrunc.f32 v7  }
0x167: {  	v18 =	vcvt.f32.s32 v18;
	v20 =	vcvt.f32.s32 v20;
	[tilespmem:s10+$0x1E980] =	vst v14;
	v14 =	vadd.f32 v21, v32  }
0x168: {  	v21 =	vmul.f32 v23, v1;
	v23 =	vcvt.f32.s32 v8;
	v8 =	vadd.f32 v27, v22;
	[tilespmem:s10+$0x1F180] =	vst v19  }
0x169: {  	v19 =	vtrunc.f32 v5;
	v24 =	vshll.u32 v18, $0x5;
	v22 =	vmul.u32 $0x420, v20;
	[tilespmem:s10+$0x1E190] =	vst v14  }
0x16a: {  	v14 =	vcvt.f32.s32 v19;
	v19 =	vtrunc.f32 v21;
	v24 =	vadd.s32 v23, v24;
	[tilespmem:s10+$0x1E990] =	vst v8;
	s10 =	smov.u32 s3;
	s3 =	smov.u32 s15  }
0x16b: {  	v8 =	vcvt.s32.f32 v18;
	v18 =	vcvt.s32.f32 v20;
	v20 =	vadd.s32 v22, v24  }
0x16c: {  	v22 =	vmul.f32 v11, v1;
	v11 =	vcvt.f32.s32 v19;
	v19 =	vshll.u32 v14, $0x5  }
0x16d: {  	v24 =	vsub.f32 v4, v8;
	v4 =	vsub.f32 v7, v18;
	v18 =	vadd.s32 $0x420, v20  }
0x16e: {  	v7 =	vcvt.s32.f32 v14;
	v8 =	vcvt.s32.f32 v11;
	v11 =	vmul.u32 $0x420, v11  }
0x16f: {  	v26 =	vadd.s32 $0x20, v20;
	v14 =	vtrunc.f32 v22;
	v25 =	vmul.f32 v4, v24  }
0x170: {  	v14 =	vcvt.f32.s32 v14;
	v5 =	vsub.f32 v5, v7;
	v7 =	vsub.f32 v21, v8;
	v21 =	vld.idx.msk [tilespmem:v20+s17+$0x0], $0xffff  }
0x171: {  	v28 =	vadd.s32 $0x440, v20;
	v27 =	vsub.f32 v4, v25;
	v4 =	vsub.f32 $1.000000000e+00, v24  }
0x172: {  	v8 =	vadd.s32 v14, v19;
	v29 =	vsub.f32 $1.000000000e+00, v5;
	v19 =	vmul.f32 v7, v5;
	v30 =	vld.idx.msk [tilespmem:v18+s17+$0x0], $0xffff  }
0x173: {  	v14 =	vcvt.s32.f32 v14;
	v31 =	vadd.s32 v11, v8;
	v11 =	vsub.f32 v4, v27  }
0x174: {  	v32 =	vadd.s32 $0x420, v31;
	v8 =	vadd.s32 $0x20, v31;
	v7 =	vsub.f32 v7, v19;
	v33 =	vld.idx.msk [tilespmem:v26+s17+$0x0], $0xffff  }
0x175: {  	v4 =	vadd.s32 $0x440, v31;
	v5 =	vsub.f32 v5, v19;
	v34 =	vpack.i.f32.bf16 v11, v11  }
0x176: {  	v11 =	vsub.f32 v29, v7;
	v29 =	vpack.i.f32.bf16 v7, v7;
	v21 =	vmul.bf16 v21, v34;
	v35 =	vld.idx.msk [tilespmem:v28+s17+$0x0], $0xffff  }
0x177: {  	v24 =	vsub.f32 v24, v25;
	v5 =	vpack.i.f32.bf16 v5, v5;
	v7 =	vpack.i.f32.bf16 v27, v27  }
0x178: {  	v27 =	vpack.i.f32.bf16 v11, v11;
	v21 =	vadd.bf16 v0, v21;
	v30 =	vmul.bf16 v30, v7;
	v36 =	vld.idx.msk [tilespmem:v31+s4+$0x0], $0xffff  }
0x179: {  	v23 =	vcvt.s32.f32 v23;
	v19 =	vpack.i.f32.bf16 v19, v19;
	v11 =	vpack.i.f32.bf16 v24, v24;
	v37 =	vld.idx.msk [tilespmem:v31+s16+$0x0], $0xffff  }
0x17a: {  	v14 =	vsub.f32 v22, v14;
	v21 =	vadd.bf16 v30, v21;
	v24 =	vmul.bf16 v33, v11;
	v22 =	vld.idx.msk [tilespmem:v31+s17+$0x0], $0xffff  }
0x17b: {  	v23 =	vsub.f32 v13, v23;
	v13 =	vmul.bf16 v16, v2;
	v31 =	vpack.i.f32.bf16 v25, v25;
	v30 =	vld.idx.msk [tilespmem:v32+s4+$0x0], $0xffff  }
0x17c: {  	v16 =	vsub.f32 $1.000000000e+00, v14;
	v2 =	vmovc v19;
	v21 =	vadd.bf16 v24, v21;
	v24 =	vmul.bf16 v35, v31;
	v33 =	vld.idx.msk [tilespmem:v32+s16+$0x0], $0xffff  }
0x17d: {  	v19 =	vsub.f32 $1.000000000e+00, v23;
	v25 =	vadd.bf16 v13, v12;
	v13 =	vmul.bf16 v15, v3;
	v32 =	vld.idx.msk [tilespmem:v32+s17+$0x0], $0xffff  }
0x17e: {  	v15 =	vpack.i.f32.bf16 v14, v16;
	v16 =	vmul.bf16 v36, v27;
	v21 =	vadd.bf16 v24, v21;
	v35 =	vld.idx.msk [tilespmem:v20+s4+$0x0], $0xffff  }
0x17f: {  	v12 =	vpack.i.f32.bf16 v23, v19;
	v14 =	vmul.bf16 v17, v3;
	v24 =	vmul.bf16 v37, v27;
	v20 =	vld.idx.msk [tilespmem:v20+s16+$0x0], $0xffff  }
0x180: {  	v16 =	vadd.bf16 v0, v16;
	v17 =	vmul.bf16 v22, v27;
	v21 =	vmul.bf16 v21, v12;
	v36 =	vld.idx.msk [tilespmem:v28+s4+$0x0], $0xffff  }
0x181: {  	v19 =	vmul.bf16 v25, v3;
	v22 =	vadd.bf16 v0, v24;
	v23 =	vmul.bf16 v30, v29;
	v30 =	vld.idx.msk [tilespmem:v28+s16+$0x0], $0xffff  }
0x182: {  	v3 =	vmovc v15;
	v17 =	vadd.bf16 v0, v17;
	v27 =	vunpack.i.u.bf16.f32 v21;
	v21 =	vunpack.i.l.bf16.f32 v21;
	v25 =	vld.idx.msk [tilespmem:v26+s4+$0x0], $0xffff  }
.Ltmp1:
0x183: {  	v28 =	vmul.bf16 v33, v29;
	v29 =	vmul.bf16 v32, v29;
	v24 =	vld.idx.msk [tilespmem:v26+s16+$0x0], $0xffff;
	v26 =	vadd.f32 v21, v27;
	(pc) =	sbr.rel @p0 .LBB2_5-.Ltmp1, $4  }
0x184: {  	v15 =	vadd.bf16 v23, v16;
	v27 =	vmul.bf16 v35, v34;
	v21 =	vmul.bf16 v10, v6;
	v23 =	vld.idx.msk [tilespmem:v18+s4+$0x0], $0xffff  }
0x185: {  	v10 =	vadd.bf16 v28, v22;
	v32 =	vmul.bf16 v20, v34;
	v20 =	vunpack.i.u.bf16.f32 v13;
	v22 =	vld.idx.msk [tilespmem:v18+s16+$0x0], $0xffff;
	[tilespmem:s3+$0x1F190] =	vst v26  }
0x186: {  	v16 =	vadd.bf16 v29, v17;
	v27 =	vadd.bf16 v0, v27;
	v17 =	vmul.bf16 v36, v31;
	v26 =	vld.idx.msk [tilespmem:v8+s4+$0x0], $0xffff  }
0x187: {  	s5 =	sadd.s32 $0x10, s5;
	s14 =	sadd.s32 $0x100, s14;
	v9 =	vmul.bf16 v9, v6;
	v29 =	vadd.bf16 v0, v32;
	v18 =	vmul.bf16 v30, v31;
	v28 =	vld.idx.msk [tilespmem:v8+s16+$0x0], $0xffff  }
0x188: {  	_ =	sdelay $0x2  }
0x189: {  	v6 =	vmul.bf16 v25, v11  }
0x18a: {  	v8 =	vld.idx.msk [tilespmem:v8+s17+$0x0], $0xffff;
	v13 =	vunpack.i.l.bf16.f32 v13;
	v38 =	vunpack.i.u.bf16.f32 v14;
	v39 =	vmul.bf16 v24, v11  }
0x18b: {  	v40 =	vld.idx.msk [tilespmem:v4+s4+$0x0], $0xffff;
	v41 =	vunpack.i.l.bf16.f32 v14;
	v30 =	vunpack.i.u.bf16.f32 v19;
	v42 =	vunpack.i.l.bf16.f32 v19  }
0x18c: {  	v31 =	vld.idx.msk [tilespmem:v4+s16+$0x0], $0xffff;
	v32 =	vunpack.i.u.bf16.f32 v21;
	v44 =	vunpack.i.l.bf16.f32 v21;
	v23 =	vmul.bf16 v23, v7  }
0x18d: {  	v46 =	vld.idx.msk [tilespmem:v4+s17+$0x0], $0xffff;
	v13 =	vadd.f32 v13, v20;
	v53 =	vadd.f32 v41, v38;
	v43 =	vmul.bf16 v22, v7  }
0x18e: {  	v55 =	vadd.f32 v42, v30;
	v45 =	vmul.bf16 v26, v5;
	v23 =	vadd.bf16 v23, v27  }
0x18f: {  	v56 =	vadd.f32 v44, v32;
	v47 =	vmul.bf16 v28, v5;
	v7 =	vadd.bf16 v43, v29  }
0x190: {  	v15 =	vadd.bf16 v45, v15;
	v48 =	vmul.bf16 v8, v5;
	v6 =	vadd.bf16 v6, v23  }
0x191: {  	v50 =	vmul.bf16 v40, v2;
	v51 =	vmul.bf16 v31, v2;
	v49 =	vadd.bf16 v47, v10  }
0x192: {  	v2 =	vmul.bf16 v46, v2;
	v7 =	vadd.bf16 v39, v7;
	v5 =	vadd.bf16 v48, v16  }
0x193: {  	v52 =	vunpack.i.u.bf16.f32 v9;
	v10 =	vadd.bf16 v50, v15;
	v8 =	vadd.bf16 v51, v49  }
0x194: {  	v54 =	vunpack.i.l.bf16.f32 v9;
	v7 =	vadd.bf16 v18, v7;
	v2 =	vadd.bf16 v2, v5  }
0x195: {  	[tilespmem:s10+$0x1E180] =	vst v13;
	v6 =	vadd.bf16 v17, v6;
	v10 =	vmul.bf16 v10, v3;
	v8 =	vmul.bf16 v8, v3  }
0x196: {  	v4 =	vadd.f32 v54, v52;
	[tilespmem:s10+$0x1E980] =	vst v53;
	v7 =	vmul.bf16 v7, v12;
	v2 =	vmul.bf16 v2, v3  }
0x197: {  	[tilespmem:s10+$0x1F180] =	vst v55;
	v3 =	vmul.bf16 v6, v12;
	v57 =	vunpack.i.u.bf16.f32 v10;
	v58 =	vunpack.i.l.bf16.f32 v10  }
0x198: {  	[tilespmem:s10+$0x1E190] =	vst v56;
	v59 =	vunpack.i.u.bf16.f32 v8;
	v8 =	vunpack.i.l.bf16.f32 v8;
	v6 =	vadd.f32 v58, v57  }
0x199: {  	[tilespmem:s10+$0x1E990] =	vst v4;
	v60 =	vunpack.i.u.bf16.f32 v2;
	v2 =	vunpack.i.l.bf16.f32 v2;
	v5 =	vadd.f32 v8, v59  }
0x19a: {  	v61 =	vunpack.i.u.bf16.f32 v3;
	v3 =	vunpack.i.l.bf16.f32 v3;
	[tilespmem:s3+$0x1E180] =	vst v6;
	v2 =	vadd.f32 v2, v60  }
0x19b: {  	v62 =	vunpack.i.u.bf16.f32 v7;
	v63 =	vunpack.i.l.bf16.f32 v7;
	v3 =	vadd.f32 v3, v61;
	[tilespmem:s3+$0x1E980] =	vst v5  }
0x19c: {  	[tilespmem:s3+$0x1F180] =	vst v2;
	v2 =	vadd.f32 v63, v62  }
0x19d: {  	s7 =	sadd.s32 $0x1, s7;
	[tilespmem:s3+$0x1E190] =	vst v3  }
0x19e: {  	s22 =	sadd.s32 s2, s8;
	p0 =	sne.s32 s7, $0x20;
	[tilespmem:s3+$0x1E990] =	vst v2  }
0x19f: {  	[hbm4b:s22+s4] =	stream.linear.scatter [tilespmem:s30], [sflag:$0x4], $0x800, $0x38;
	[tilespmem:$0x1FA00] =	vst v63  }
.Ltmp2:
0x1a0: {  	_ = 	snop;
	(pc) =	sbr.rel @p0 .LBB2_2-.Ltmp2, $4  }
0x1a1: {  	s23 =	sadd.s32 s2, s9  }
0x1a2: {  	[hbm4b:s23+s4] =	stream.linear.scatter [tilespmem:s31], [sflag:$0x4], $0x800, $0x38;
	[tilespmem:$0x1FA00] =	vst v63  }
0x1a3: {  	s25 =	sadd.s32 s2, s11  }
0x1a4: {  	[hbm4b:s25+s4] =	stream.linear.scatter [tilespmem:s0], [sflag:$0x4], $0x800, $0x38;
	[tilespmem:$0x1FA00] =	vst v63  }
0x1a5: {  	s3 =	simm.s32 $0x3  }
0x1a6: {  	_ =	swait.ge [sflag:s3], $0x800  }
0x1a7: {  	[sflag:s3] =	ssyncset.done $0x0  }
0x1a8: {  	[sflag:s3] =	ssyncadd.s32 $0xFFFFF800  }
0x1a9: {  	_ =	swait.ge [sflag:s3], $0x800  }
0x1aa: {  	[sflag:s3] =	ssyncset.done $0x0  }
0x1ab: {  	[sflag:s3] =	ssyncadd.s32 $0xFFFFF800  }
0x1ac: {  	_ =	swait.ge [sflag:s3], $0x800  }
0x1ad: {  	[sflag:s3] =	ssyncset.done $0x0  }
0x1ae: {  	s23 =	simm.s32 $0x4;
	[sflag:s3] =	ssyncadd.s32 $0xFFFFF800  }
0x1af: {  	_ =	swait.ge [sflag:s23], $0x800  }
0x1b0: {  	[sflag:s23] =	ssyncset.done $0x0  }
0x1b1: {  	[sflag:s23] =	ssyncadd.s32 $0xFFFFF800  }
0x1b2: {  	_ =	swait.ge [sflag:s23], $0x800  }
0x1b3: {  	[sflag:s23] =	ssyncset.done $0x0  }
0x1b4: {  	[sflag:s23] =	ssyncadd.s32 $0xFFFFF800  }
0x1b5: {  	_ =	swait.ge [sflag:s23], $0x800  }
0x1b6: {  	[sflag:s23] =	ssyncset.done $0x0  }
0x1b7: {  	[sflag:s23] =	ssyncadd.s32 $0xFFFFF800  }
0x1b8: {  	_ =	swait.ge [sflag:s24], $0x800  }
0x1b9: {  	[sflag:s24] =	ssyncset.done $0x0  }
0x1ba: {  	[sflag:s24] =	ssyncadd.s32 $0xFFFFF800  }
0x1bb: {  	_ =	swait.ge [sflag:s24], $0x800  }
0x1bc: {  	[sflag:s24] =	ssyncset.done $0x0  }
0x1bd: {  	[sflag:s24] =	ssyncadd.s32 $0xFFFFF800  }
0x1be: {  	_ =	swait.ge [sflag:s24], $0x800  }
0x1bf: {  	s5 =	rddreg [dreg:$0xc]  }
0x1c0: {  	s25 =	rddreg [dreg:$0xb];
	s5 =	sadd.s32 $0x1, s5  }
0x1c1: {  	p0 =	sne.s32 s5, s25  }
.Ltmp3:
0x1c2: {  	_ = 	snop;
	(pc) =	sbr.rel @p0 .LBB2_1-.Ltmp3, $3  }
0x1c3: {  	_ =	sdelay $0x1  }
0x1c4: {  	[sflag:s24] =	ssyncset.done $0x0  }
0x1c5: {  	[sflag:s24] =	ssyncadd.s32 $0xFFFFF800  }
0x1c6: {  	_ =	sfence.sel $0x180000  }
0x1c7: {  	[bflag:$0x0] =	sbarrier.arrive $0xFFFF  }
0x1c8: {  	_ =	strace $0x90000047  }
0x1c9: {  	s0 =	stileid.u32;
	[bflag:$0x2] =	sbarrier.arrive $0xFFFF  }
0x1ca: {  	p0 =	sne.s32 s0, $0x0;
	s0 =	rddreg [dreg:$0x3]  }
0x1cb: {  	s0 =	sadd.s32 @!p0 $0x100000, s0  }
0x1cc: {  	[sflag:s0] =	ssyncadd.tile.s32 @!p0 $0x1;
	_ =	shalt  }
.Lfunc_end2:
_tile_overlayer_lowered:
.L_overlay_start_2:
0x1cd: {  	(tag) =	ssettag $0x2  }
0x1ce: {  	s0 =	rddreg [dreg:$0x0];
	s2 =	stileid.u32  }
0x1cf: {  	s1 =	rddreg [dreg:$0x1];
	p0 =	sne.s32 s2, $0x0  }
0x1d0: {  	s3 =	rddreg [dreg:$0x2];
	[bflag:$0x3] =	sbarrier.arrive $0xFFFF;
	s2 =	simm.s32 @!p0 $0x1C05  }
0x1d1: {  	[timem:s3], [sflag:s2] =	dma.local @!p0 [hbm:s0], s1  }
0x1d2: {  	s0 =	simm.s32 @!p0 $0x5  }
0x1d3: {  	_ =	swait.ge @!p0 [sflag:s0], s1  }
0x1d4: {  	s1 =	ssub.s32 @!p0 $0x0, s1;
	[sflag:s0] =	ssyncset.done @!p0 $0x0  }
0x1d5: {  	[sflag:s0] =	ssyncadd.s32 @!p0 s1  }
0x1d6: {  	[bflag:$0x3] =	sbarrier.arrive $0xFFFF  }
0x1d7: {  	_ =	shalt  }

</sc_bundles>
